<compile_context>
chip_gen: v7x
topology: tpu7x:2x2x1
jax: 0.10.2.dev20260603
libtpu: 0.0.44.dev20260713+nightly
codegen_flags: <defaults>
</compile_context>

<pallas_src>
import functools

import jax
import jax.numpy as jnp
from jax import lax
from jax.experimental import pallas as pl
from jax.experimental.pallas import tpu as pltpu
from jax.experimental.pallas import tpu_sc as plsc

NN_SIZE = 16
RADIUS2 = 0.05 * 0.05

B, N, C = 8, 16384, 3

NC = 2
NS = 16
L = 16
NW = NC * NS
WPB = NW // B
R = N // WPB
GROUPS = R // L
TILE = 8 * 128
KT = NN_SIZE // 8
NTW = R // 128


def _rsqrt(x):
    i = plsc.bitcast(x, jnp.int32)
    i = jnp.int32(0x5F3759DF) - lax.shift_right_logical(i, 1)
    y = plsc.bitcast(i, jnp.float32)
    return y * (1.5 - 0.5 * x * y * y)


@functools.partial(
    pl.kernel,
    mesh=plsc.VectorSubcoreMesh(core_axis_name="c", subcore_axis_name="s"),
    compiler_params=pltpu.CompilerParams(needs_layout_passes=False),
    out_type=jax.ShapeDtypeStruct((NW * L,), jnp.float32),
    scratch_types=[
        pltpu.VMEM((N,), jnp.float32),
        pltpu.VMEM((N,), jnp.float32),
        pltpu.VMEM((N,), jnp.float32),
        pltpu.VMEM((NN_SIZE * R,), jnp.int32),
        pltpu.VMEM((L,), jnp.float32),
        pltpu.SemaphoreType.DMA,
        pltpu.SemaphoreType.DMA,
        pltpu.SemaphoreType.DMA,
    ],
)
def _repulsion_sc(pts_hbm, idx_hbm, out_hbm, x_v, y_v, z_v, idx_v, acc_v, sem,
                  sem_i0, sem_i1):
    wid = lax.axis_index("s") * NC + lax.axis_index("c")
    b = wid // WPB
    q = wid % WPB
    base = q * R

    copies = [
        pltpu.async_copy(pts_hbm.at[pl.ds(c * B * N + b * N, N)], dst, sem)
        for c, dst in zip(range(C), (x_v, y_v, z_v))
    ]
    idx_copies = [
        pltpu.async_copy(
            idx_hbm.at[pl.ds(((b * KT + kt) * (N // 128) + q * NTW) * TILE,
                             NTW * TILE)],
            idx_v.at[pl.ds(kt * NTW * TILE, NTW * TILE)],
            isem,
        )
        for kt, isem in zip(range(KT), (sem_i0, sem_i1))
    ]

    def make_body(ks, unroll):
        def one_group(g16, acc):
            grp = lax.shift_left((g16 >> 7), 10) + (g16 & 127)
            cx = x_v[pl.ds(base + g16, L)]
            cy = y_v[pl.ds(base + g16, L)]
            cz = z_v[pl.ds(base + g16, L)]
            for k in ks:
                koff = (k // 8) * (NTW * TILE) + (k % 8) * 128
                nidx = idx_v[pl.ds(grp + koff, L)]
                dx = plsc.load_gather(x_v, [nidx]) - cx
                dy = plsc.load_gather(y_v, [nidx]) - cy
                dz = plsc.load_gather(z_v, [nidx]) - cz
                d2 = (dx * dx + dy * dy) + dz * dz
                acc = acc + jnp.where(d2 < RADIUS2, _rsqrt(d2 + 0.0001), 0.0)
            return acc

        def body(j, acc):
            for u in range(unroll):
                acc = one_group((j * unroll + u) * L, acc)
            return acc

        return body

    UNROLL = 1
    for c in copies:
        c.wait()
    idx_copies[0].wait()
    acc = lax.fori_loop(0, GROUPS // UNROLL, make_body(range(8), UNROLL),
                        jnp.zeros((L,), jnp.float32))
    idx_copies[1].wait()
    acc = lax.fori_loop(0, GROUPS // UNROLL,
                        make_body(range(8, NN_SIZE), UNROLL), acc)
    acc_v[...] = acc
    pltpu.sync_copy(acc_v, out_hbm.at[pl.ds(wid * L, L)])


def kernel(points, knn_idx):
    pts_t = jnp.transpose(points, (2, 0, 1)).reshape(C * B * N)
    idx_t = (
        jnp.swapaxes(knn_idx, 1, 2)
        .reshape(B, KT, 8, N // 128, 128)
        .transpose(0, 1, 3, 2, 4)
        .reshape(B * NN_SIZE * N)
    )
    partials = _repulsion_sc(pts_t, idx_t)
    return jnp.sum(partials) / (B * N * NN_SIZE)

# --- scband reference (transcript-rebuilt; emitter-appended) ---
"""Pipeline reference for scband-simple-point-repulsion-loss-1382979470111 (READ-ONLY COPY).

The authoritative reference and input builder live on the scoring server;
editing this copy changes nothing except your own understanding.
"""

import jax, jax.numpy as jnp
import numpy as np

NN_SIZE = 16
RADIUS = 0.05
RADIUS2 = RADIUS * RADIUS

B, N, C = 8, 16384, 3


def setup_inputs(seed: int = 0) -> dict:
    key = jax.random.key(seed)
    k1, k2 = jax.random.split(key)
    points = jax.random.normal(k1, (B, N, C), dtype=jnp.float32)
    knn_idx = jax.random.randint(k2, (B, N, NN_SIZE), 0, N, dtype=jnp.int32)
    return {"points": points, "knn_idx": knn_idx}


def reference(points, knn_idx):
    Bs, Ns, Cs = points.shape
    # gather neighbor coordinates: equivalent to torch.gather on expanded points
    batch_ids = jnp.arange(Bs)[:, None, None]  # (B,1,1)
    knn_points = points[batch_ids, knn_idx]    # (B, N, K, C)
    knn_v = knn_points - points[:, :, None, :]
    distance2 = jnp.sum(knn_v * knn_v, axis=-1)  # (B, N, K)
    loss = 1.0 / jnp.sqrt(distance2 + 0.0001)
    loss = jnp.where(distance2 < RADIUS2, loss, jnp.zeros_like(loss))
    return loss.mean()

if __name__ == "__main__":
    import jax
    _d = setup_inputs()
    print(jax.jit(kernel)(*tuple(_d.values())))

</pallas_src>

<mosaic_0001>
#map = affine_map<(d0, d1) -> (0)>
module attributes {stable_mosaic.version = 14 : i64} {
  func.func @_repulsion_sc(%arg0: i32, %arg1: i32, %arg2: memref<393216xf32, #tpu.memory_space<hbm>>, %arg3: memref<2097152xi32, #tpu.memory_space<hbm>>, %arg4: memref<512xf32, #tpu.memory_space<hbm>>, %arg5: memref<16384xf32, #tpu.memory_space<vmem>>, %arg6: memref<16384xf32, #tpu.memory_space<vmem>>, %arg7: memref<16384xf32, #tpu.memory_space<vmem>>, %arg8: memref<65536xi32, #tpu.memory_space<vmem>>, %arg9: memref<16xf32, #tpu.memory_space<vmem>>, %arg10: memref<!tpu.dma_semaphore, #tpu.memory_space<semaphore_mem>>, %arg11: memref<!tpu.dma_semaphore, #tpu.memory_space<semaphore_mem>>, %arg12: memref<!tpu.dma_semaphore, #tpu.memory_space<semaphore_mem>>) attributes {dimension_semantics = [#tpu.dimension_semantics<core_parallel>, #tpu.dimension_semantics<subcore_parallel>], iteration_bounds = array<i64: 2, 16>, scalar_prefetch = 0 : i64, scratch_operands = 8 : i64, tpu.core_type = #tpu.core_type<sc_vector_subcore>, window_params = [{transform_indices = #map}, {transform_indices = #map}, {transform_indices = #map}]} {
    %mul3A = arith.constant 2 : i32
    %mul3A_0 = arith.muli %arg1, %mul3A : i32
    %add3A = arith.addi %mul3A_0, %arg0 : i32
    %jit3A = arith.constant 4 : i32
    %div3A = arith.divsi %add3A, %jit3A : i32
    %sign3A = arith.constant 0 : i32
    %sign3A_1 = arith.cmpi sgt, %add3A, %sign3A : i32
    %sign3A_2 = arith.extui %sign3A_1 : i1 to i32
    %sign3A_3 = arith.constant 0 : i32
    %sign3A_4 = arith.cmpi slt, %add3A, %sign3A_3 : i32
    %sign3A_5 = arith.extui %sign3A_4 : i1 to i32
    %sign3A_6 = arith.subi %sign3A_2, %sign3A_5 : i32
    %sign3A_7 = arith.constant 0 : i32
    %sign3A_8 = arith.cmpi sgt, %jit3A, %sign3A_7 : i32
    %sign3A_9 = arith.extui %sign3A_8 : i1 to i32
    %sign3A_10 = arith.constant 0 : i32
    %sign3A_11 = arith.cmpi slt, %jit3A, %sign3A_10 : i32
    %sign3A_12 = arith.extui %sign3A_11 : i1 to i32
    %sign3A_13 = arith.subi %sign3A_9, %sign3A_12 : i32
    %ne3A = arith.cmpi ne, %sign3A_6, %sign3A_13 : i32
    %rem3A = arith.remsi %add3A, %jit3A : i32
    %ne3A_14 = arith.constant 0 : i32
    %ne3A_15 = arith.cmpi ne, %rem3A, %ne3A_14 : i32
    %and3A = arith.andi %ne3A, %ne3A_15 : i1
    %sub3A = arith.constant 1 : i32
    %sub3A_16 = arith.subi %div3A, %sub3A : i32
    %select_n3A = arith.select %and3A, %sub3A_16, %div3A : i32
    %jit3A_17 = arith.constant 4 : i32
    %eq3A = arith.constant 0 : i32
    %eq3A_18 = arith.cmpi eq, %jit3A_17, %eq3A : i32
    %jit3A_19 = arith.constant 1 : i32
    %select_n3A_20 = arith.select %eq3A_18, %jit3A_19, %jit3A_17 : i32
    %rem3A_21 = arith.remsi %add3A, %select_n3A_20 : i32
    %ne3A_22 = arith.constant 0 : i32
    %ne3A_23 = arith.cmpi ne, %rem3A_21, %ne3A_22 : i32
    %lt3A = arith.constant 0 : i32
    %lt3A_24 = arith.cmpi slt, %rem3A_21, %lt3A : i32
    %lt3A_25 = arith.constant 0 : i32
    %lt3A_26 = arith.cmpi slt, %select_n3A_20, %lt3A_25 : i32
    %ne3A_27 = arith.xori %lt3A_24, %lt3A_26 : i1
    %and3A_28 = arith.andi %ne3A_27, %ne3A_23 : i1
    %add3A_29 = arith.addi %rem3A_21, %select_n3A_20 : i32
    %select_n3A_30 = arith.select %and3A_28, %add3A_29, %rem3A_21 : i32
    %mul3A_31 = arith.constant 4096 : i32
    %mul3A_32 = arith.muli %select_n3A_30, %mul3A_31 : i32
    %mul3A_33 = arith.constant 16384 : i32
    %mul3A_34 = arith.muli %select_n3A, %mul3A_33 : i32
    %add3A_35 = arith.constant 0 : i32
    %add3A_36 = arith.addi %add3A_35, %mul3A_34 : i32
    %dma_start3A = tpu.memref_slice %arg2[%add3A_36] : memref<393216xf32, #tpu.memory_space<hbm>> -> memref<16384xf32, #tpu.memory_space<hbm>>
    %dma_start3A_37 = tpu.memref_slice %arg2[%add3A_36] : memref<393216xf32, #tpu.memory_space<hbm>> -> memref<16384xf32, #tpu.memory_space<hbm>>
    tpu.enqueue_dma source(%dma_start3A_37 : memref<16384xf32, #tpu.memory_space<hbm>>) target(%arg5 : memref<16384xf32, #tpu.memory_space<vmem>>) target_semaphore(%arg10 : memref<!tpu.dma_semaphore, #tpu.memory_space<semaphore_mem>>)
    %mul3A_38 = arith.constant 16384 : i32
    %mul3A_39 = arith.muli %select_n3A, %mul3A_38 : i32
    %add3A_40 = arith.constant 131072 : i32
    %add3A_41 = arith.addi %add3A_40, %mul3A_39 : i32
    %dma_start3A_42 = tpu.memref_slice %arg2[%add3A_41] : memref<393216xf32, #tpu.memory_space<hbm>> -> memref<16384xf32, #tpu.memory_space<hbm>>
    %dma_start3A_43 = tpu.memref_slice %arg2[%add3A_41] : memref<393216xf32, #tpu.memory_space<hbm>> -> memref<16384xf32, #tpu.memory_space<hbm>>
    tpu.enqueue_dma source(%dma_start3A_43 : memref<16384xf32, #tpu.memory_space<hbm>>) target(%arg6 : memref<16384xf32, #tpu.memory_space<vmem>>) target_semaphore(%arg10 : memref<!tpu.dma_semaphore, #tpu.memory_space<semaphore_mem>>)
    %mul3A_44 = arith.constant 16384 : i32
    %mul3A_45 = arith.muli %select_n3A, %mul3A_44 : i32
    %add3A_46 = arith.constant 262144 : i32
    %add3A_47 = arith.addi %add3A_46, %mul3A_45 : i32
    %dma_start3A_48 = tpu.memref_slice %arg2[%add3A_47] : memref<393216xf32, #tpu.memory_space<hbm>> -> memref<16384xf32, #tpu.memory_space<hbm>>
    %dma_start3A_49 = tpu.memref_slice %arg2[%add3A_47] : memref<393216xf32, #tpu.memory_space<hbm>> -> memref<16384xf32, #tpu.memory_space<hbm>>
    tpu.enqueue_dma source(%dma_start3A_49 : memref<16384xf32, #tpu.memory_space<hbm>>) target(%arg7 : memref<16384xf32, #tpu.memory_space<vmem>>) target_semaphore(%arg10 : memref<!tpu.dma_semaphore, #tpu.memory_space<semaphore_mem>>)
    %mul3A_50 = arith.constant 2 : i32
    %mul3A_51 = arith.muli %select_n3A, %mul3A_50 : i32
    %add3A_52 = arith.constant 0 : i32
    %add3A_53 = arith.addi %mul3A_51, %add3A_52 : i32
    %mul3A_54 = arith.constant 128 : i32
    %mul3A_55 = arith.muli %add3A_53, %mul3A_54 : i32
    %mul3A_56 = arith.constant 32 : i32
    %mul3A_57 = arith.muli %select_n3A_30, %mul3A_56 : i32
    %add3A_58 = arith.addi %mul3A_55, %mul3A_57 : i32
    %mul3A_59 = arith.constant 1024 : i32
    %mul3A_60 = arith.muli %add3A_58, %mul3A_59 : i32
    %dma_start3A_61 = arith.constant 0 : i32
    %dma_start3A_62 = tpu.memref_slice %arg8[%dma_start3A_61] : memref<65536xi32, #tpu.memory_space<vmem>> -> memref<32768xi32, #tpu.memory_space<vmem>>
    %dma_start3A_63 = tpu.memref_slice %arg3[%mul3A_60] : memref<2097152xi32, #tpu.memory_space<hbm>> -> memref<32768xi32, #tpu.memory_space<hbm>>
    %dma_start3A_64 = arith.constant 0 : i32
    %dma_start3A_65 = tpu.memref_slice %arg8[%dma_start3A_64] : memref<65536xi32, #tpu.memory_space<vmem>> -> memref<32768xi32, #tpu.memory_space<vmem>>
    %dma_start3A_66 = tpu.memref_slice %arg3[%mul3A_60] : memref<2097152xi32, #tpu.memory_space<hbm>> -> memref<32768xi32, #tpu.memory_space<hbm>>
    tpu.enqueue_dma source(%dma_start3A_66 : memref<32768xi32, #tpu.memory_space<hbm>>) target(%dma_start3A_65 : memref<32768xi32, #tpu.memory_space<vmem>>) target_semaphore(%arg11 : memref<!tpu.dma_semaphore, #tpu.memory_space<semaphore_mem>>)
    %mul3A_67 = arith.constant 2 : i32
    %mul3A_68 = arith.muli %select_n3A, %mul3A_67 : i32
    %add3A_69 = arith.constant 1 : i32
    %add3A_70 = arith.addi %mul3A_68, %add3A_69 : i32
    %mul3A_71 = arith.constant 128 : i32
    %mul3A_72 = arith.muli %add3A_70, %mul3A_71 : i32
    %mul3A_73 = arith.constant 32 : i32
    %mul3A_74 = arith.muli %select_n3A_30, %mul3A_73 : i32
    %add3A_75 = arith.addi %mul3A_72, %mul3A_74 : i32
    %mul3A_76 = arith.constant 1024 : i32
    %mul3A_77 = arith.muli %add3A_75, %mul3A_76 : i32
    %dma_start3A_78 = arith.constant 32768 : i32
    %dma_start3A_79 = tpu.memref_slice %arg8[%dma_start3A_78] : memref<65536xi32, #tpu.memory_space<vmem>> -> memref<32768xi32, #tpu.memory_space<vmem>>
    %dma_start3A_80 = tpu.memref_slice %arg3[%mul3A_77] : memref<2097152xi32, #tpu.memory_space<hbm>> -> memref<32768xi32, #tpu.memory_space<hbm>>
    %dma_start3A_81 = arith.constant 32768 : i32
    %dma_start3A_82 = tpu.memref_slice %arg8[%dma_start3A_81] : memref<65536xi32, #tpu.memory_space<vmem>> -> memref<32768xi32, #tpu.memory_space<vmem>>
    %dma_start3A_83 = tpu.memref_slice %arg3[%mul3A_77] : memref<2097152xi32, #tpu.memory_space<hbm>> -> memref<32768xi32, #tpu.memory_space<hbm>>
    tpu.enqueue_dma source(%dma_start3A_83 : memref<32768xi32, #tpu.memory_space<hbm>>) target(%dma_start3A_82 : memref<32768xi32, #tpu.memory_space<vmem>>) target_semaphore(%arg12 : memref<!tpu.dma_semaphore, #tpu.memory_space<semaphore_mem>>)
    %dma_wait3A = tpu.memref_slice %arg2[%add3A_36] : memref<393216xf32, #tpu.memory_space<hbm>> -> memref<16384xf32, #tpu.memory_space<hbm>>
    %dma_wait3A_84 = tpu.memref_slice %arg2[%add3A_36] : memref<393216xf32, #tpu.memory_space<hbm>> -> memref<16384xf32, #tpu.memory_space<hbm>>
    tpu.wait_dma2 semaphore(%arg10 : memref<!tpu.dma_semaphore, #tpu.memory_space<semaphore_mem>>) src(%dma_wait3A_84 : memref<16384xf32, #tpu.memory_space<hbm>>) dst(%arg5 : memref<16384xf32, #tpu.memory_space<vmem>>)
    %dma_wait3A_85 = tpu.memref_slice %arg2[%add3A_41] : memref<393216xf32, #tpu.memory_space<hbm>> -> memref<16384xf32, #tpu.memory_space<hbm>>
    %dma_wait3A_86 = tpu.memref_slice %arg2[%add3A_41] : memref<393216xf32, #tpu.memory_space<hbm>> -> memref<16384xf32, #tpu.memory_space<hbm>>
    tpu.wait_dma2 semaphore(%arg10 : memref<!tpu.dma_semaphore, #tpu.memory_space<semaphore_mem>>) src(%dma_wait3A_86 : memref<16384xf32, #tpu.memory_space<hbm>>) dst(%arg6 : memref<16384xf32, #tpu.memory_space<vmem>>)
    %dma_wait3A_87 = tpu.memref_slice %arg2[%add3A_47] : memref<393216xf32, #tpu.memory_space<hbm>> -> memref<16384xf32, #tpu.memory_space<hbm>>
    %dma_wait3A_88 = tpu.memref_slice %arg2[%add3A_47] : memref<393216xf32, #tpu.memory_space<hbm>> -> memref<16384xf32, #tpu.memory_space<hbm>>
    tpu.wait_dma2 semaphore(%arg10 : memref<!tpu.dma_semaphore, #tpu.memory_space<semaphore_mem>>) src(%dma_wait3A_88 : memref<16384xf32, #tpu.memory_space<hbm>>) dst(%arg7 : memref<16384xf32, #tpu.memory_space<vmem>>)
    %dma_wait3A_89 = arith.constant 0 : i32
    %dma_wait3A_90 = tpu.memref_slice %arg8[%dma_wait3A_89] : memref<65536xi32, #tpu.memory_space<vmem>> -> memref<32768xi32, #tpu.memory_space<vmem>>
    %dma_wait3A_91 = tpu.memref_slice %arg3[%mul3A_60] : memref<2097152xi32, #tpu.memory_space<hbm>> -> memref<32768xi32, #tpu.memory_space<hbm>>
    %dma_wait3A_92 = arith.constant 0 : i32
    %dma_wait3A_93 = tpu.memref_slice %arg8[%dma_wait3A_92] : memref<65536xi32, #tpu.memory_space<vmem>> -> memref<32768xi32, #tpu.memory_space<vmem>>
    %dma_wait3A_94 = tpu.memref_slice %arg3[%mul3A_60] : memref<2097152xi32, #tpu.memory_space<hbm>> -> memref<32768xi32, #tpu.memory_space<hbm>>
    tpu.wait_dma2 semaphore(%arg11 : memref<!tpu.dma_semaphore, #tpu.memory_space<semaphore_mem>>) src(%dma_wait3A_94 : memref<32768xi32, #tpu.memory_space<hbm>>) dst(%dma_wait3A_93 : memref<32768xi32, #tpu.memory_space<vmem>>)
    %broadcast_in_dim3A = arith.constant 0.000000e+00 : f32
    %broadcast_in_dim3A_95 = vector.broadcast %broadcast_in_dim3A : f32 to vector<16xf32>
    %scan3A = arith.constant 0 : i32
    %scan3A_96 = arith.constant 256 : i32
    %scan3A_97 = arith.addi %scan3A, %scan3A_96 : i32
    %scan3A_98 = arith.constant 1 : i32
    %scan3A_99 = scf.for %scan3A_116 = %scan3A to %scan3A_97 step %scan3A_98 iter_args(%scan3A_117 = %broadcast_in_dim3A_95) -> (vector<16xf32>)  : i32 {
      %mul3A_118 = arith.constant 1 : i32
      %mul3A_119 = arith.muli %scan3A_116, %mul3A_118 : i32
      %add3A_120 = arith.constant 0 : i32
      %add3A_121 = arith.addi %mul3A_119, %add3A_120 : i32
      %mul3A_122 = arith.constant 16 : i32
      %mul3A_123 = arith.muli %add3A_121, %mul3A_122 : i32
      %shift_right_arithmetic3A = arith.constant 7 : i32
      %shift_right_arithmetic3A_124 = arith.shrsi %mul3A_123, %shift_right_arithmetic3A : i32
      %shift_left3A = arith.constant 10 : i32
      %shift_left3A_125 = arith.shli %shift_right_arithmetic3A_124, %shift_left3A : i32
      %and3A_126 = arith.constant 127 : i32
      %and3A_127 = arith.andi %mul3A_123, %and3A_126 : i32
      %add3A_128 = arith.addi %shift_left3A_125, %and3A_127 : i32
      %add3A_129 = arith.addi %mul3A_32, %mul3A_123 : i32
      %get3A = arith.index_cast %add3A_129 : i32 to index
      %get3A_130 = tpu.vector_load %arg5[%get3A] {strides = array<i32>} : memref<16384xf32, #tpu.memory_space<vmem>>, vector<16xf32>,
      %add3A_131 = arith.addi %mul3A_32, %mul3A_123 : i32
      %get3A_132 = arith.index_cast %add3A_131 : i32 to index
      %get3A_133 = tpu.vector_load %arg6[%get3A_132] {strides = array<i32>} : memref<16384xf32, #tpu.memory_space<vmem>>, vector<16xf32>,
      %add3A_134 = arith.addi %mul3A_32, %mul3A_123 : i32
      %get3A_135 = arith.index_cast %add3A_134 : i32 to index
      %get3A_136 = tpu.vector_load %arg7[%get3A_135] {strides = array<i32>} : memref<16384xf32, #tpu.memory_space<vmem>>, vector<16xf32>,
      %add3A_137 = arith.constant 0 : i32
      %add3A_138 = arith.addi %add3A_128, %add3A_137 : i32
      %get3A_139 = arith.index_cast %add3A_138 : i32 to index
      %get3A_140 = tpu.vector_load %arg8[%get3A_139] {strides = array<i32>} : memref<65536xi32, #tpu.memory_space<vmem>>, vector<16xi32>,
      %gather3A = tpu.vector_load_idx %arg5[%get3A_140] : memref<16384xf32, #tpu.memory_space<vmem>>[vector<16xi32>], vector<16xf32>,
      %sub3A_141 = arith.subf %gather3A, %get3A_130 : vector<16xf32>
      %gather3A_142 = tpu.vector_load_idx %arg6[%get3A_140] : memref<16384xf32, #tpu.memory_space<vmem>>[vector<16xi32>], vector<16xf32>,
      %sub3A_143 = arith.subf %gather3A_142, %get3A_133 : vector<16xf32>
      %gather3A_144 = tpu.vector_load_idx %arg7[%get3A_140] : memref<16384xf32, #tpu.memory_space<vmem>>[vector<16xi32>], vector<16xf32>,
      %sub3A_145 = arith.subf %gather3A_144, %get3A_136 : vector<16xf32>
      %mul3A_146 = arith.mulf %sub3A_141, %sub3A_141 : vector<16xf32>
      %mul3A_147 = arith.mulf %sub3A_143, %sub3A_143 : vector<16xf32>
      %add3A_148 = arith.addf %mul3A_146, %mul3A_147 : vector<16xf32>
      %mul3A_149 = arith.mulf %sub3A_145, %sub3A_145 : vector<16xf32>
      %add3A_150 = arith.addf %add3A_148, %mul3A_149 : vector<16xf32>
      %lt3A_151 = arith.constant 2.500000e-03 : f32
      %lt3A_152 = vector.broadcast %lt3A_151 : f32 to vector<16xf32>
      %lt3A_153 = arith.cmpf olt, %add3A_150, %lt3A_152 : vector<16xf32>
      %add3A_154 = arith.constant 9.99999974E-5 : f32
      %add3A_155 = vector.broadcast %add3A_154 : f32 to vector<16xf32>
      %add3A_156 = arith.addf %add3A_150, %add3A_155 : vector<16xf32>
      %bitcast3A = vector.bitcast %add3A_156 : vector<16xf32> to vector<16xi32>
      %shift_right_logical3A = arith.constant 1 : i32
      %shift_right_logical3A_157 = vector.broadcast %shift_right_logical3A : i32 to vector<16xi32>
      %shift_right_logical3A_158 = arith.shrui %bitcast3A, %shift_right_logical3A_157 : vector<16xi32>
      %sub3A_159 = arith.constant 1597463007 : i32
      %sub3A_160 = vector.broadcast %sub3A_159 : i32 to vector<16xi32>
      %sub3A_161 = arith.subi %sub3A_160, %shift_right_logical3A_158 : vector<16xi32>
      %bitcast3A_162 = vector.bitcast %sub3A_161 : vector<16xi32> to vector<16xf32>
      %mul3A_163 = arith.constant 5.000000e-01 : f32
      %mul3A_164 = vector.broadcast %mul3A_163 : f32 to vector<16xf32>
      %mul3A_165 = arith.mulf %mul3A_164, %add3A_156 : vector<16xf32>
      %mul3A_166 = arith.mulf %mul3A_165, %bitcast3A_162 : vector<16xf32>
      %mul3A_167 = arith.mulf %mul3A_166, %bitcast3A_162 : vector<16xf32>
      %sub3A_168 = arith.constant 1.500000e+00 : f32
      %sub3A_169 = vector.broadcast %sub3A_168 : f32 to vector<16xf32>
      %sub3A_170 = arith.subf %sub3A_169, %mul3A_167 : vector<16xf32>
      %mul3A_171 = arith.mulf %bitcast3A_162, %sub3A_170 : vector<16xf32>
      %jit3A_172 = arith.constant 0.000000e+00 : f32
      %broadcast_in_dim3A_173 = vector.broadcast %jit3A_172 : f32 to vector<16xf32>
      %select_n3A_174 = arith.select %lt3A_153, %mul3A_171, %broadcast_in_dim3A_173 : vector<16xi1>, vector<16xf32>
      %add3A_175 = arith.addf %scan3A_117, %select_n3A_174 : vector<16xf32>
      %add3A_176 = arith.constant 128 : i32
      %add3A_177 = arith.addi %add3A_128, %add3A_176 : i32
      %get3A_178 = arith.index_cast %add3A_177 : i32 to index
      %get3A_179 = tpu.vector_load %arg8[%get3A_178] {strides = array<i32>} : memref<65536xi32, #tpu.memory_space<vmem>>, vector<16xi32>,
      %gather3A_180 = tpu.vector_load_idx %arg5[%get3A_179] : memref<16384xf32, #tpu.memory_space<vmem>>[vector<16xi32>], vector<16xf32>,
      %sub3A_181 = arith.subf %gather3A_180, %get3A_130 : vector<16xf32>
      %gather3A_182 = tpu.vector_load_idx %arg6[%get3A_179] : memref<16384xf32, #tpu.memory_space<vmem>>[vector<16xi32>], vector<16xf32>,
      %sub3A_183 = arith.subf %gather3A_182, %get3A_133 : vector<16xf32>
      %gather3A_184 = tpu.vector_load_idx %arg7[%get3A_179] : memref<16384xf32, #tpu.memory_space<vmem>>[vector<16xi32>], vector<16xf32>,
      %sub3A_185 = arith.subf %gather3A_184, %get3A_136 : vector<16xf32>
      %mul3A_186 = arith.mulf %sub3A_181, %sub3A_181 : vector<16xf32>
      %mul3A_187 = arith.mulf %sub3A_183, %sub3A_183 : vector<16xf32>
      %add3A_188 = arith.addf %mul3A_186, %mul3A_187 : vector<16xf32>
      %mul3A_189 = arith.mulf %sub3A_185, %sub3A_185 : vector<16xf32>
      %add3A_190 = arith.addf %add3A_188, %mul3A_189 : vector<16xf32>
      %lt3A_191 = arith.constant 2.500000e-03 : f32
      %lt3A_192 = vector.broadcast %lt3A_191 : f32 to vector<16xf32>
      %lt3A_193 = arith.cmpf olt, %add3A_190, %lt3A_192 : vector<16xf32>
      %add3A_194 = arith.constant 9.99999974E-5 : f32
      %add3A_195 = vector.broadcast %add3A_194 : f32 to vector<16xf32>
      %add3A_196 = arith.addf %add3A_190, %add3A_195 : vector<16xf32>
      %bitcast3A_197 = vector.bitcast %add3A_196 : vector<16xf32> to vector<16xi32>
      %shift_right_logical3A_198 = arith.constant 1 : i32
      %shift_right_logical3A_199 = vector.broadcast %shift_right_logical3A_198 : i32 to vector<16xi32>
      %shift_right_logical3A_200 = arith.shrui %bitcast3A_197, %shift_right_logical3A_199 : vector<16xi32>
      %sub3A_201 = arith.constant 1597463007 : i32
      %sub3A_202 = vector.broadcast %sub3A_201 : i32 to vector<16xi32>
      %sub3A_203 = arith.subi %sub3A_202, %shift_right_logical3A_200 : vector<16xi32>
      %bitcast3A_204 = vector.bitcast %sub3A_203 : vector<16xi32> to vector<16xf32>
      %mul3A_205 = arith.constant 5.000000e-01 : f32
      %mul3A_206 = vector.broadcast %mul3A_205 : f32 to vector<16xf32>
      %mul3A_207 = arith.mulf %mul3A_206, %add3A_196 : vector<16xf32>
      %mul3A_208 = arith.mulf %mul3A_207, %bitcast3A_204 : vector<16xf32>
      %mul3A_209 = arith.mulf %mul3A_208, %bitcast3A_204 : vector<16xf32>
      %sub3A_210 = arith.constant 1.500000e+00 : f32
      %sub3A_211 = vector.broadcast %sub3A_210 : f32 to vector<16xf32>
      %sub3A_212 = arith.subf %sub3A_211, %mul3A_209 : vector<16xf32>
      %mul3A_213 = arith.mulf %bitcast3A_204, %sub3A_212 : vector<16xf32>
      %jit3A_214 = arith.constant 0.000000e+00 : f32
      %broadcast_in_dim3A_215 = vector.broadcast %jit3A_214 : f32 to vector<16xf32>
      %select_n3A_216 = arith.select %lt3A_193, %mul3A_213, %broadcast_in_dim3A_215 : vector<16xi1>, vector<16xf32>
      %add3A_217 = arith.addf %add3A_175, %select_n3A_216 : vector<16xf32>
      %add3A_218 = arith.constant 256 : i32
      %add3A_219 = arith.addi %add3A_128, %add3A_218 : i32
      %get3A_220 = arith.index_cast %add3A_219 : i32 to index
      %get3A_221 = tpu.vector_load %arg8[%get3A_220] {strides = array<i32>} : memref<65536xi32, #tpu.memory_space<vmem>>, vector<16xi32>,
      %gather3A_222 = tpu.vector_load_idx %arg5[%get3A_221] : memref<16384xf32, #tpu.memory_space<vmem>>[vector<16xi32>], vector<16xf32>,
      %sub3A_223 = arith.subf %gather3A_222, %get3A_130 : vector<16xf32>
      %gather3A_224 = tpu.vector_load_idx %arg6[%get3A_221] : memref<16384xf32, #tpu.memory_space<vmem>>[vector<16xi32>], vector<16xf32>,
      %sub3A_225 = arith.subf %gather3A_224, %get3A_133 : vector<16xf32>
      %gather3A_226 = tpu.vector_load_idx %arg7[%get3A_221] : memref<16384xf32, #tpu.memory_space<vmem>>[vector<16xi32>], vector<16xf32>,
      %sub3A_227 = arith.subf %gather3A_226, %get3A_136 : vector<16xf32>
      %mul3A_228 = arith.mulf %sub3A_223, %sub3A_223 : vector<16xf32>
      %mul3A_229 = arith.mulf %sub3A_225, %sub3A_225 : vector<16xf32>
      %add3A_230 = arith.addf %mul3A_228, %mul3A_229 : vector<16xf32>
      %mul3A_231 = arith.mulf %sub3A_227, %sub3A_227 : vector<16xf32>
      %add3A_232 = arith.addf %add3A_230, %mul3A_231 : vector<16xf32>
      %lt3A_233 = arith.constant 2.500000e-03 : f32
      %lt3A_234 = vector.broadcast %lt3A_233 : f32 to vector<16xf32>
      %lt3A_235 = arith.cmpf olt, %add3A_232, %lt3A_234 : vector<16xf32>
      %add3A_236 = arith.constant 9.99999974E-5 : f32
      %add3A_237 = vector.broadcast %add3A_236 : f32 to vector<16xf32>
      %add3A_238 = arith.addf %add3A_232, %add3A_237 : vector<16xf32>
      %bitcast3A_239 = vector.bitcast %add3A_238 : vector<16xf32> to vector<16xi32>
      %shift_right_logical3A_240 = arith.constant 1 : i32
      %shift_right_logical3A_241 = vector.broadcast %shift_right_logical3A_240 : i32 to vector<16xi32>
      %shift_right_logical3A_242 = arith.shrui %bitcast3A_239, %shift_right_logical3A_241 : vector<16xi32>
      %sub3A_243 = arith.constant 1597463007 : i32
      %sub3A_244 = vector.broadcast %sub3A_243 : i32 to vector<16xi32>
      %sub3A_245 = arith.subi %sub3A_244, %shift_right_logical3A_242 : vector<16xi32>
      %bitcast3A_246 = vector.bitcast %sub3A_245 : vector<16xi32> to vector<16xf32>
      %mul3A_247 = arith.constant 5.000000e-01 : f32
      %mul3A_248 = vector.broadcast %mul3A_247 : f32 to vector<16xf32>
      %mul3A_249 = arith.mulf %mul3A_248, %add3A_238 : vector<16xf32>
      %mul3A_250 = arith.mulf %mul3A_249, %bitcast3A_246 : vector<16xf32>
      %mul3A_251 = arith.mulf %mul3A_250, %bitcast3A_246 : vector<16xf32>
      %sub3A_252 = arith.constant 1.500000e+00 : f32
      %sub3A_253 = vector.broadcast %sub3A_252 : f32 to vector<16xf32>
      %sub3A_254 = arith.subf %sub3A_253, %mul3A_251 : vector<16xf32>
      %mul3A_255 = arith.mulf %bitcast3A_246, %sub3A_254 : vector<16xf32>
      %jit3A_256 = arith.constant 0.000000e+00 : f32
      %broadcast_in_dim3A_257 = vector.broadcast %jit3A_256 : f32 to vector<16xf32>
      %select_n3A_258 = arith.select %lt3A_235, %mul3A_255, %broadcast_in_dim3A_257 : vector<16xi1>, vector<16xf32>
      %add3A_259 = arith.addf %add3A_217, %select_n3A_258 : vector<16xf32>
      %add3A_260 = arith.constant 384 : i32
      %add3A_261 = arith.addi %add3A_128, %add3A_260 : i32
      %get3A_262 = arith.index_cast %add3A_261 : i32 to index
      %get3A_263 = tpu.vector_load %arg8[%get3A_262] {strides = array<i32>} : memref<65536xi32, #tpu.memory_space<vmem>>, vector<16xi32>,
      %gather3A_264 = tpu.vector_load_idx %arg5[%get3A_263] : memref<16384xf32, #tpu.memory_space<vmem>>[vector<16xi32>], vector<16xf32>,
      %sub3A_265 = arith.subf %gather3A_264, %get3A_130 : vector<16xf32>
      %gather3A_266 = tpu.vector_load_idx %arg6[%get3A_263] : memref<16384xf32, #tpu.memory_space<vmem>>[vector<16xi32>], vector<16xf32>,
      %sub3A_267 = arith.subf %gather3A_266, %get3A_133 : vector<16xf32>
      %gather3A_268 = tpu.vector_load_idx %arg7[%get3A_263] : memref<16384xf32, #tpu.memory_space<vmem>>[vector<16xi32>], vector<16xf32>,
      %sub3A_269 = arith.subf %gather3A_268, %get3A_136 : vector<16xf32>
      %mul3A_270 = arith.mulf %sub3A_265, %sub3A_265 : vector<16xf32>
      %mul3A_271 = arith.mulf %sub3A_267, %sub3A_267 : vector<16xf32>
      %add3A_272 = arith.addf %mul3A_270, %mul3A_271 : vector<16xf32>
      %mul3A_273 = arith.mulf %sub3A_269, %sub3A_269 : vector<16xf32>
      %add3A_274 = arith.addf %add3A_272, %mul3A_273 : vector<16xf32>
      %lt3A_275 = arith.constant 2.500000e-03 : f32
      %lt3A_276 = vector.broadcast %lt3A_275 : f32 to vector<16xf32>
      %lt3A_277 = arith.cmpf olt, %add3A_274, %lt3A_276 : vector<16xf32>
      %add3A_278 = arith.constant 9.99999974E-5 : f32
      %add3A_279 = vector.broadcast %add3A_278 : f32 to vector<16xf32>
      %add3A_280 = arith.addf %add3A_274, %add3A_279 : vector<16xf32>
      %bitcast3A_281 = vector.bitcast %add3A_280 : vector<16xf32> to vector<16xi32>
      %shift_right_logical3A_282 = arith.constant 1 : i32
      %shift_right_logical3A_283 = vector.broadcast %shift_right_logical3A_282 : i32 to vector<16xi32>
      %shift_right_logical3A_284 = arith.shrui %bitcast3A_281, %shift_right_logical3A_283 : vector<16xi32>
      %sub3A_285 = arith.constant 1597463007 : i32
      %sub3A_286 = vector.broadcast %sub3A_285 : i32 to vector<16xi32>
      %sub3A_287 = arith.subi %sub3A_286, %shift_right_logical3A_284 : vector<16xi32>
      %bitcast3A_288 = vector.bitcast %sub3A_287 : vector<16xi32> to vector<16xf32>
      %mul3A_289 = arith.constant 5.000000e-01 : f32
      %mul3A_290 = vector.broadcast %mul3A_289 : f32 to vector<16xf32>
      %mul3A_291 = arith.mulf %mul3A_290, %add3A_280 : vector<16xf32>
      %mul3A_292 = arith.mulf %mul3A_291, %bitcast3A_288 : vector<16xf32>
      %mul3A_293 = arith.mulf %mul3A_292, %bitcast3A_288 : vector<16xf32>
      %sub3A_294 = arith.constant 1.500000e+00 : f32
      %sub3A_295 = vector.broadcast %sub3A_294 : f32 to vector<16xf32>
      %sub3A_296 = arith.subf %sub3A_295, %mul3A_293 : vector<16xf32>
      %mul3A_297 = arith.mulf %bitcast3A_288, %sub3A_296 : vector<16xf32>
      %jit3A_298 = arith.constant 0.000000e+00 : f32
      %broadcast_in_dim3A_299 = vector.broadcast %jit3A_298 : f32 to vector<16xf32>
      %select_n3A_300 = arith.select %lt3A_277, %mul3A_297, %broadcast_in_dim3A_299 : vector<16xi1>, vector<16xf32>
      %add3A_301 = arith.addf %add3A_259, %select_n3A_300 : vector<16xf32>
      %add3A_302 = arith.constant 512 : i32
      %add3A_303 = arith.addi %add3A_128, %add3A_302 : i32
      %get3A_304 = arith.index_cast %add3A_303 : i32 to index
      %get3A_305 = tpu.vector_load %arg8[%get3A_304] {strides = array<i32>} : memref<65536xi32, #tpu.memory_space<vmem>>, vector<16xi32>,
      %gather3A_306 = tpu.vector_load_idx %arg5[%get3A_305] : memref<16384xf32, #tpu.memory_space<vmem>>[vector<16xi32>], vector<16xf32>,
      %sub3A_307 = arith.subf %gather3A_306, %get3A_130 : vector<16xf32>
      %gather3A_308 = tpu.vector_load_idx %arg6[%get3A_305] : memref<16384xf32, #tpu.memory_space<vmem>>[vector<16xi32>], vector<16xf32>,
      %sub3A_309 = arith.subf %gather3A_308, %get3A_133 : vector<16xf32>
      %gather3A_310 = tpu.vector_load_idx %arg7[%get3A_305] : memref<16384xf32, #tpu.memory_space<vmem>>[vector<16xi32>], vector<16xf32>,
      %sub3A_311 = arith.subf %gather3A_310, %get3A_136 : vector<16xf32>
      %mul3A_312 = arith.mulf %sub3A_307, %sub3A_307 : vector<16xf32>
      %mul3A_313 = arith.mulf %sub3A_309, %sub3A_309 : vector<16xf32>
      %add3A_314 = arith.addf %mul3A_312, %mul3A_313 : vector<16xf32>
      %mul3A_315 = arith.mulf %sub3A_311, %sub3A_311 : vector<16xf32>
      %add3A_316 = arith.addf %add3A_314, %mul3A_315 : vector<16xf32>
      %lt3A_317 = arith.constant 2.500000e-03 : f32
      %lt3A_318 = vector.broadcast %lt3A_317 : f32 to vector<16xf32>
      %lt3A_319 = arith.cmpf olt, %add3A_316, %lt3A_318 : vector<16xf32>
      %add3A_320 = arith.constant 9.99999974E-5 : f32
      %add3A_321 = vector.broadcast %add3A_320 : f32 to vector<16xf32>
      %add3A_322 = arith.addf %add3A_316, %add3A_321 : vector<16xf32>
      %bitcast3A_323 = vector.bitcast %add3A_322 : vector<16xf32> to vector<16xi32>
      %shift_right_logical3A_324 = arith.constant 1 : i32
      %shift_right_logical3A_325 = vector.broadcast %shift_right_logical3A_324 : i32 to vector<16xi32>
      %shift_right_logical3A_326 = arith.shrui %bitcast3A_323, %shift_right_logical3A_325 : vector<16xi32>
      %sub3A_327 = arith.constant 1597463007 : i32
      %sub3A_328 = vector.broadcast %sub3A_327 : i32 to vector<16xi32>
      %sub3A_329 = arith.subi %sub3A_328, %shift_right_logical3A_326 : vector<16xi32>
      %bitcast3A_330 = vector.bitcast %sub3A_329 : vector<16xi32> to vector<16xf32>
      %mul3A_331 = arith.constant 5.000000e-01 : f32
      %mul3A_332 = vector.broadcast %mul3A_331 : f32 to vector<16xf32>
      %mul3A_333 = arith.mulf %mul3A_332, %add3A_322 : vector<16xf32>
      %mul3A_334 = arith.mulf %mul3A_333, %bitcast3A_330 : vector<16xf32>
      %mul3A_335 = arith.mulf %mul3A_334, %bitcast3A_330 : vector<16xf32>
      %sub3A_336 = arith.constant 1.500000e+00 : f32
      %sub3A_337 = vector.broadcast %sub3A_336 : f32 to vector<16xf32>
      %sub3A_338 = arith.subf %sub3A_337, %mul3A_335 : vector<16xf32>
      %mul3A_339 = arith.mulf %bitcast3A_330, %sub3A_338 : vector<16xf32>
      %jit3A_340 = arith.constant 0.000000e+00 : f32
      %broadcast_in_dim3A_341 = vector.broadcast %jit3A_340 : f32 to vector<16xf32>
      %select_n3A_342 = arith.select %lt3A_319, %mul3A_339, %broadcast_in_dim3A_341 : vector<16xi1>, vector<16xf32>
      %add3A_343 = arith.addf %add3A_301, %select_n3A_342 : vector<16xf32>
      %add3A_344 = arith.constant 640 : i32
      %add3A_345 = arith.addi %add3A_128, %add3A_344 : i32
      %get3A_346 = arith.index_cast %add3A_345 : i32 to index
      %get3A_347 = tpu.vector_load %arg8[%get3A_346] {strides = array<i32>} : memref<65536xi32, #tpu.memory_space<vmem>>, vector<16xi32>,
      %gather3A_348 = tpu.vector_load_idx %arg5[%get3A_347] : memref<16384xf32, #tpu.memory_space<vmem>>[vector<16xi32>], vector<16xf32>,
      %sub3A_349 = arith.subf %gather3A_348, %get3A_130 : vector<16xf32>
      %gather3A_350 = tpu.vector_load_idx %arg6[%get3A_347] : memref<16384xf32, #tpu.memory_space<vmem>>[vector<16xi32>], vector<16xf32>,
      %sub3A_351 = arith.subf %gather3A_350, %get3A_133 : vector<16xf32>
      %gather3A_352 = tpu.vector_load_idx %arg7[%get3A_347] : memref<16384xf32, #tpu.memory_space<vmem>>[vector<16xi32>], vector<16xf32>,
      %sub3A_353 = arith.subf %gather3A_352, %get3A_136 : vector<16xf32>
      %mul3A_354 = arith.mulf %sub3A_349, %sub3A_349 : vector<16xf32>
      %mul3A_355 = arith.mulf %sub3A_351, %sub3A_351 : vector<16xf32>
      %add3A_356 = arith.addf %mul3A_354, %mul3A_355 : vector<16xf32>
      %mul3A_357 = arith.mulf %sub3A_353, %sub3A_353 : vector<16xf32>
      %add3A_358 = arith.addf %add3A_356, %mul3A_357 : vector<16xf32>
      %lt3A_359 = arith.constant 2.500000e-03 : f32
      %lt3A_360 = vector.broadcast %lt3A_359 : f32 to vector<16xf32>
      %lt3A_361 = arith.cmpf olt, %add3A_358, %lt3A_360 : vector<16xf32>
      %add3A_362 = arith.constant 9.99999974E-5 : f32
      %add3A_363 = vector.broadcast %add3A_362 : f32 to vector<16xf32>
      %add3A_364 = arith.addf %add3A_358, %add3A_363 : vector<16xf32>
      %bitcast3A_365 = vector.bitcast %add3A_364 : vector<16xf32> to vector<16xi32>
      %shift_right_logical3A_366 = arith.constant 1 : i32
      %shift_right_logical3A_367 = vector.broadcast %shift_right_logical3A_366 : i32 to vector<16xi32>
      %shift_right_logical3A_368 = arith.shrui %bitcast3A_365, %shift_right_logical3A_367 : vector<16xi32>
      %sub3A_369 = arith.constant 1597463007 : i32
      %sub3A_370 = vector.broadcast %sub3A_369 : i32 to vector<16xi32>
      %sub3A_371 = arith.subi %sub3A_370, %shift_right_logical3A_368 : vector<16xi32>
      %bitcast3A_372 = vector.bitcast %sub3A_371 : vector<16xi32> to vector<16xf32>
      %mul3A_373 = arith.constant 5.000000e-01 : f32
      %mul3A_374 = vector.broadcast %mul3A_373 : f32 to vector<16xf32>
      %mul3A_375 = arith.mulf %mul3A_374, %add3A_364 : vector<16xf32>
      %mul3A_376 = arith.mulf %mul3A_375, %bitcast3A_372 : vector<16xf32>
      %mul3A_377 = arith.mulf %mul3A_376, %bitcast3A_372 : vector<16xf32>
      %sub3A_378 = arith.constant 1.500000e+00 : f32
      %sub3A_379 = vector.broadcast %sub3A_378 : f32 to vector<16xf32>
      %sub3A_380 = arith.subf %sub3A_379, %mul3A_377 : vector<16xf32>
      %mul3A_381 = arith.mulf %bitcast3A_372, %sub3A_380 : vector<16xf32>
      %jit3A_382 = arith.constant 0.000000e+00 : f32
      %broadcast_in_dim3A_383 = vector.broadcast %jit3A_382 : f32 to vector<16xf32>
      %select_n3A_384 = arith.select %lt3A_361, %mul3A_381, %broadcast_in_dim3A_383 : vector<16xi1>, vector<16xf32>
      %add3A_385 = arith.addf %add3A_343, %select_n3A_384 : vector<16xf32>
      %add3A_386 = arith.constant 768 : i32
      %add3A_387 = arith.addi %add3A_128, %add3A_386 : i32
      %get3A_388 = arith.index_cast %add3A_387 : i32 to index
      %get3A_389 = tpu.vector_load %arg8[%get3A_388] {strides = array<i32>} : memref<65536xi32, #tpu.memory_space<vmem>>, vector<16xi32>,
      %gather3A_390 = tpu.vector_load_idx %arg5[%get3A_389] : memref<16384xf32, #tpu.memory_space<vmem>>[vector<16xi32>], vector<16xf32>,
      %sub3A_391 = arith.subf %gather3A_390, %get3A_130 : vector<16xf32>
      %gather3A_392 = tpu.vector_load_idx %arg6[%get3A_389] : memref<16384xf32, #tpu.memory_space<vmem>>[vector<16xi32>], vector<16xf32>,
      %sub3A_393 = arith.subf %gather3A_392, %get3A_133 : vector<16xf32>
      %gather3A_394 = tpu.vector_load_idx %arg7[%get3A_389] : memref<16384xf32, #tpu.memory_space<vmem>>[vector<16xi32>], vector<16xf32>,
      %sub3A_395 = arith.subf %gather3A_394, %get3A_136 : vector<16xf32>
      %mul3A_396 = arith.mulf %sub3A_391, %sub3A_391 : vector<16xf32>
      %mul3A_397 = arith.mulf %sub3A_393, %sub3A_393 : vector<16xf32>
      %add3A_398 = arith.addf %mul3A_396, %mul3A_397 : vector<16xf32>
      %mul3A_399 = arith.mulf %sub3A_395, %sub3A_395 : vector<16xf32>
      %add3A_400 = arith.addf %add3A_398, %mul3A_399 : vector<16xf32>
      %lt3A_401 = arith.constant 2.500000e-03 : f32
      %lt3A_402 = vector.broadcast %lt3A_401 : f32 to vector<16xf32>
      %lt3A_403 = arith.cmpf olt, %add3A_400, %lt3A_402 : vector<16xf32>
      %add3A_404 = arith.constant 9.99999974E-5 : f32
      %add3A_405 = vector.broadcast %add3A_404 : f32 to vector<16xf32>
      %add3A_406 = arith.addf %add3A_400, %add3A_405 : vector<16xf32>
      %bitcast3A_407 = vector.bitcast %add3A_406 : vector<16xf32> to vector<16xi32>
      %shift_right_logical3A_408 = arith.constant 1 : i32
      %shift_right_logical3A_409 = vector.broadcast %shift_right_logical3A_408 : i32 to vector<16xi32>
      %shift_right_logical3A_410 = arith.shrui %bitcast3A_407, %shift_right_logical3A_409 : vector<16xi32>
      %sub3A_411 = arith.constant 1597463007 : i32
      %sub3A_412 = vector.broadcast %sub3A_411 : i32 to vector<16xi32>
      %sub3A_413 = arith.subi %sub3A_412, %shift_right_logical3A_410 : vector<16xi32>
      %bitcast3A_414 = vector.bitcast %sub3A_413 : vector<16xi32> to vector<16xf32>
      %mul3A_415 = arith.constant 5.000000e-01 : f32
      %mul3A_416 = vector.broadcast %mul3A_415 : f32 to vector<16xf32>
      %mul3A_417 = arith.mulf %mul3A_416, %add3A_406 : vector<16xf32>
      %mul3A_418 = arith.mulf %mul3A_417, %bitcast3A_414 : vector<16xf32>
      %mul3A_419 = arith.mulf %mul3A_418, %bitcast3A_414 : vector<16xf32>
      %sub3A_420 = arith.constant 1.500000e+00 : f32
      %sub3A_421 = vector.broadcast %sub3A_420 : f32 to vector<16xf32>
      %sub3A_422 = arith.subf %sub3A_421, %mul3A_419 : vector<16xf32>
      %mul3A_423 = arith.mulf %bitcast3A_414, %sub3A_422 : vector<16xf32>
      %jit3A_424 = arith.constant 0.000000e+00 : f32
      %broadcast_in_dim3A_425 = vector.broadcast %jit3A_424 : f32 to vector<16xf32>
      %select_n3A_426 = arith.select %lt3A_403, %mul3A_423, %broadcast_in_dim3A_425 : vector<16xi1>, vector<16xf32>
      %add3A_427 = arith.addf %add3A_385, %select_n3A_426 : vector<16xf32>
      %add3A_428 = arith.constant 896 : i32
      %add3A_429 = arith.addi %add3A_128, %add3A_428 : i32
      %get3A_430 = arith.index_cast %add3A_429 : i32 to index
      %get3A_431 = tpu.vector_load %arg8[%get3A_430] {strides = array<i32>} : memref<65536xi32, #tpu.memory_space<vmem>>, vector<16xi32>,
      %gather3A_432 = tpu.vector_load_idx %arg5[%get3A_431] : memref<16384xf32, #tpu.memory_space<vmem>>[vector<16xi32>], vector<16xf32>,
      %sub3A_433 = arith.subf %gather3A_432, %get3A_130 : vector<16xf32>
      %gather3A_434 = tpu.vector_load_idx %arg6[%get3A_431] : memref<16384xf32, #tpu.memory_space<vmem>>[vector<16xi32>], vector<16xf32>,
      %sub3A_435 = arith.subf %gather3A_434, %get3A_133 : vector<16xf32>
      %gather3A_436 = tpu.vector_load_idx %arg7[%get3A_431] : memref<16384xf32, #tpu.memory_space<vmem>>[vector<16xi32>], vector<16xf32>,
      %sub3A_437 = arith.subf %gather3A_436, %get3A_136 : vector<16xf32>
      %mul3A_438 = arith.mulf %sub3A_433, %sub3A_433 : vector<16xf32>
      %mul3A_439 = arith.mulf %sub3A_435, %sub3A_435 : vector<16xf32>
      %add3A_440 = arith.addf %mul3A_438, %mul3A_439 : vector<16xf32>
      %mul3A_441 = arith.mulf %sub3A_437, %sub3A_437 : vector<16xf32>
      %add3A_442 = arith.addf %add3A_440, %mul3A_441 : vector<16xf32>
      %lt3A_443 = arith.constant 2.500000e-03 : f32
      %lt3A_444 = vector.broadcast %lt3A_443 : f32 to vector<16xf32>
      %lt3A_445 = arith.cmpf olt, %add3A_442, %lt3A_444 : vector<16xf32>
      %add3A_446 = arith.constant 9.99999974E-5 : f32
      %add3A_447 = vector.broadcast %add3A_446 : f32 to vector<16xf32>
      %add3A_448 = arith.addf %add3A_442, %add3A_447 : vector<16xf32>
      %bitcast3A_449 = vector.bitcast %add3A_448 : vector<16xf32> to vector<16xi32>
      %shift_right_logical3A_450 = arith.constant 1 : i32
      %shift_right_logical3A_451 = vector.broadcast %shift_right_logical3A_450 : i32 to vector<16xi32>
      %shift_right_logical3A_452 = arith.shrui %bitcast3A_449, %shift_right_logical3A_451 : vector<16xi32>
      %sub3A_453 = arith.constant 1597463007 : i32
      %sub3A_454 = vector.broadcast %sub3A_453 : i32 to vector<16xi32>
      %sub3A_455 = arith.subi %sub3A_454, %shift_right_logical3A_452 : vector<16xi32>
      %bitcast3A_456 = vector.bitcast %sub3A_455 : vector<16xi32> to vector<16xf32>
      %mul3A_457 = arith.constant 5.000000e-01 : f32
      %mul3A_458 = vector.broadcast %mul3A_457 : f32 to vector<16xf32>
      %mul3A_459 = arith.mulf %mul3A_458, %add3A_448 : vector<16xf32>
      %mul3A_460 = arith.mulf %mul3A_459, %bitcast3A_456 : vector<16xf32>
      %mul3A_461 = arith.mulf %mul3A_460, %bitcast3A_456 : vector<16xf32>
      %sub3A_462 = arith.constant 1.500000e+00 : f32
      %sub3A_463 = vector.broadcast %sub3A_462 : f32 to vector<16xf32>
      %sub3A_464 = arith.subf %sub3A_463, %mul3A_461 : vector<16xf32>
      %mul3A_465 = arith.mulf %bitcast3A_456, %sub3A_464 : vector<16xf32>
      %jit3A_466 = arith.constant 0.000000e+00 : f32
      %broadcast_in_dim3A_467 = vector.broadcast %jit3A_466 : f32 to vector<16xf32>
      %select_n3A_468 = arith.select %lt3A_445, %mul3A_465, %broadcast_in_dim3A_467 : vector<16xi1>, vector<16xf32>
      %add3A_469 = arith.addf %add3A_427, %select_n3A_468 : vector<16xf32>
      scf.yield %add3A_469 : vector<16xf32>
    }
    %scan3A_100 = arith.constant 256 : i32
    %dma_wait3A_101 = arith.constant 32768 : i32
    %dma_wait3A_102 = tpu.memref_slice %arg8[%dma_wait3A_101] : memref<65536xi32, #tpu.memory_space<vmem>> -> memref<32768xi32, #tpu.memory_space<vmem>>
    %dma_wait3A_103 = tpu.memref_slice %arg3[%mul3A_77] : memref<2097152xi32, #tpu.memory_space<hbm>> -> memref<32768xi32, #tpu.memory_space<hbm>>
    %dma_wait3A_104 = arith.constant 32768 : i32
    %dma_wait3A_105 = tpu.memref_slice %arg8[%dma_wait3A_104] : memref<65536xi32, #tpu.memory_space<vmem>> -> memref<32768xi32, #tpu.memory_space<vmem>>
    %dma_wait3A_106 = tpu.memref_slice %arg3[%mul3A_77] : memref<2097152xi32, #tpu.memory_space<hbm>> -> memref<32768xi32, #tpu.memory_space<hbm>>
    tpu.wait_dma2 semaphore(%arg12 : memref<!tpu.dma_semaphore, #tpu.memory_space<semaphore_mem>>) src(%dma_wait3A_106 : memref<32768xi32, #tpu.memory_space<hbm>>) dst(%dma_wait3A_105 : memref<32768xi32, #tpu.memory_space<vmem>>)
    %scan3A_107 = arith.constant 0 : i32
    %scan3A_108 = arith.constant 256 : i32
    %scan3A_109 = arith.addi %scan3A_107, %scan3A_108 : i32
    %scan3A_110 = arith.constant 1 : i32
    %scan3A_111 = scf.for %scan3A_116 = %scan3A_107 to %scan3A_109 step %scan3A_110 iter_args(%scan3A_117 = %scan3A_99) -> (vector<16xf32>)  : i32 {
      %mul3A_118 = arith.constant 1 : i32
      %mul3A_119 = arith.muli %scan3A_116, %mul3A_118 : i32
      %add3A_120 = arith.constant 0 : i32
      %add3A_121 = arith.addi %mul3A_119, %add3A_120 : i32
      %mul3A_122 = arith.constant 16 : i32
      %mul3A_123 = arith.muli %add3A_121, %mul3A_122 : i32
      %shift_right_arithmetic3A = arith.constant 7 : i32
      %shift_right_arithmetic3A_124 = arith.shrsi %mul3A_123, %shift_right_arithmetic3A : i32
      %shift_left3A = arith.constant 10 : i32
      %shift_left3A_125 = arith.shli %shift_right_arithmetic3A_124, %shift_left3A : i32
      %and3A_126 = arith.constant 127 : i32
      %and3A_127 = arith.andi %mul3A_123, %and3A_126 : i32
      %add3A_128 = arith.addi %shift_left3A_125, %and3A_127 : i32
      %add3A_129 = arith.addi %mul3A_32, %mul3A_123 : i32
      %get3A = arith.index_cast %add3A_129 : i32 to index
      %get3A_130 = tpu.vector_load %arg5[%get3A] {strides = array<i32>} : memref<16384xf32, #tpu.memory_space<vmem>>, vector<16xf32>,
      %add3A_131 = arith.addi %mul3A_32, %mul3A_123 : i32
      %get3A_132 = arith.index_cast %add3A_131 : i32 to index
      %get3A_133 = tpu.vector_load %arg6[%get3A_132] {strides = array<i32>} : memref<16384xf32, #tpu.memory_space<vmem>>, vector<16xf32>,
      %add3A_134 = arith.addi %mul3A_32, %mul3A_123 : i32
      %get3A_135 = arith.index_cast %add3A_134 : i32 to index
      %get3A_136 = tpu.vector_load %arg7[%get3A_135] {strides = array<i32>} : memref<16384xf32, #tpu.memory_space<vmem>>, vector<16xf32>,
      %add3A_137 = arith.constant 32768 : i32
      %add3A_138 = arith.addi %add3A_128, %add3A_137 : i32
      %get3A_139 = arith.index_cast %add3A_138 : i32 to index
      %get3A_140 = tpu.vector_load %arg8[%get3A_139] {strides = array<i32>} : memref<65536xi32, #tpu.memory_space<vmem>>, vector<16xi32>,
      %gather3A = tpu.vector_load_idx %arg5[%get3A_140] : memref<16384xf32, #tpu.memory_space<vmem>>[vector<16xi32>], vector<16xf32>,
      %sub3A_141 = arith.subf %gather3A, %get3A_130 : vector<16xf32>
      %gather3A_142 = tpu.vector_load_idx %arg6[%get3A_140] : memref<16384xf32, #tpu.memory_space<vmem>>[vector<16xi32>], vector<16xf32>,
      %sub3A_143 = arith.subf %gather3A_142, %get3A_133 : vector<16xf32>
      %gather3A_144 = tpu.vector_load_idx %arg7[%get3A_140] : memref<16384xf32, #tpu.memory_space<vmem>>[vector<16xi32>], vector<16xf32>,
      %sub3A_145 = arith.subf %gather3A_144, %get3A_136 : vector<16xf32>
      %mul3A_146 = arith.mulf %sub3A_141, %sub3A_141 : vector<16xf32>
      %mul3A_147 = arith.mulf %sub3A_143, %sub3A_143 : vector<16xf32>
      %add3A_148 = arith.addf %mul3A_146, %mul3A_147 : vector<16xf32>
      %mul3A_149 = arith.mulf %sub3A_145, %sub3A_145 : vector<16xf32>
      %add3A_150 = arith.addf %add3A_148, %mul3A_149 : vector<16xf32>
      %lt3A_151 = arith.constant 2.500000e-03 : f32
      %lt3A_152 = vector.broadcast %lt3A_151 : f32 to vector<16xf32>
      %lt3A_153 = arith.cmpf olt, %add3A_150, %lt3A_152 : vector<16xf32>
      %add3A_154 = arith.constant 9.99999974E-5 : f32
      %add3A_155 = vector.broadcast %add3A_154 : f32 to vector<16xf32>
      %add3A_156 = arith.addf %add3A_150, %add3A_155 : vector<16xf32>
      %bitcast3A = vector.bitcast %add3A_156 : vector<16xf32> to vector<16xi32>
      %shift_right_logical3A = arith.constant 1 : i32
      %shift_right_logical3A_157 = vector.broadcast %shift_right_logical3A : i32 to vector<16xi32>
      %shift_right_logical3A_158 = arith.shrui %bitcast3A, %shift_right_logical3A_157 : vector<16xi32>
      %sub3A_159 = arith.constant 1597463007 : i32
      %sub3A_160 = vector.broadcast %sub3A_159 : i32 to vector<16xi32>
      %sub3A_161 = arith.subi %sub3A_160, %shift_right_logical3A_158 : vector<16xi32>
      %bitcast3A_162 = vector.bitcast %sub3A_161 : vector<16xi32> to vector<16xf32>
      %mul3A_163 = arith.constant 5.000000e-01 : f32
      %mul3A_164 = vector.broadcast %mul3A_163 : f32 to vector<16xf32>
      %mul3A_165 = arith.mulf %mul3A_164, %add3A_156 : vector<16xf32>
      %mul3A_166 = arith.mulf %mul3A_165, %bitcast3A_162 : vector<16xf32>
      %mul3A_167 = arith.mulf %mul3A_166, %bitcast3A_162 : vector<16xf32>
      %sub3A_168 = arith.constant 1.500000e+00 : f32
      %sub3A_169 = vector.broadcast %sub3A_168 : f32 to vector<16xf32>
      %sub3A_170 = arith.subf %sub3A_169, %mul3A_167 : vector<16xf32>
      %mul3A_171 = arith.mulf %bitcast3A_162, %sub3A_170 : vector<16xf32>
      %jit3A_172 = arith.constant 0.000000e+00 : f32
      %broadcast_in_dim3A_173 = vector.broadcast %jit3A_172 : f32 to vector<16xf32>
      %select_n3A_174 = arith.select %lt3A_153, %mul3A_171, %broadcast_in_dim3A_173 : vector<16xi1>, vector<16xf32>
      %add3A_175 = arith.addf %scan3A_117, %select_n3A_174 : vector<16xf32>
      %add3A_176 = arith.constant 32896 : i32
      %add3A_177 = arith.addi %add3A_128, %add3A_176 : i32
      %get3A_178 = arith.index_cast %add3A_177 : i32 to index
      %get3A_179 = tpu.vector_load %arg8[%get3A_178] {strides = array<i32>} : memref<65536xi32, #tpu.memory_space<vmem>>, vector<16xi32>,
      %gather3A_180 = tpu.vector_load_idx %arg5[%get3A_179] : memref<16384xf32, #tpu.memory_space<vmem>>[vector<16xi32>], vector<16xf32>,
      %sub3A_181 = arith.subf %gather3A_180, %get3A_130 : vector<16xf32>
      %gather3A_182 = tpu.vector_load_idx %arg6[%get3A_179] : memref<16384xf32, #tpu.memory_space<vmem>>[vector<16xi32>], vector<16xf32>,
      %sub3A_183 = arith.subf %gather3A_182, %get3A_133 : vector<16xf32>
      %gather3A_184 = tpu.vector_load_idx %arg7[%get3A_179] : memref<16384xf32, #tpu.memory_space<vmem>>[vector<16xi32>], vector<16xf32>,
      %sub3A_185 = arith.subf %gather3A_184, %get3A_136 : vector<16xf32>
      %mul3A_186 = arith.mulf %sub3A_181, %sub3A_181 : vector<16xf32>
      %mul3A_187 = arith.mulf %sub3A_183, %sub3A_183 : vector<16xf32>
      %add3A_188 = arith.addf %mul3A_186, %mul3A_187 : vector<16xf32>
      %mul3A_189 = arith.mulf %sub3A_185, %sub3A_185 : vector<16xf32>
      %add3A_190 = arith.addf %add3A_188, %mul3A_189 : vector<16xf32>
      %lt3A_191 = arith.constant 2.500000e-03 : f32
      %lt3A_192 = vector.broadcast %lt3A_191 : f32 to vector<16xf32>
      %lt3A_193 = arith.cmpf olt, %add3A_190, %lt3A_192 : vector<16xf32>
      %add3A_194 = arith.constant 9.99999974E-5 : f32
      %add3A_195 = vector.broadcast %add3A_194 : f32 to vector<16xf32>
      %add3A_196 = arith.addf %add3A_190, %add3A_195 : vector<16xf32>
      %bitcast3A_197 = vector.bitcast %add3A_196 : vector<16xf32> to vector<16xi32>
      %shift_right_logical3A_198 = arith.constant 1 : i32
      %shift_right_logical3A_199 = vector.broadcast %shift_right_logical3A_198 : i32 to vector<16xi32>
      %shift_right_logical3A_200 = arith.shrui %bitcast3A_197, %shift_right_logical3A_199 : vector<16xi32>
      %sub3A_201 = arith.constant 1597463007 : i32
      %sub3A_202 = vector.broadcast %sub3A_201 : i32 to vector<16xi32>
      %sub3A_203 = arith.subi %sub3A_202, %shift_right_logical3A_200 : vector<16xi32>
      %bitcast3A_204 = vector.bitcast %sub3A_203 : vector<16xi32> to vector<16xf32>
      %mul3A_205 = arith.constant 5.000000e-01 : f32
      %mul3A_206 = vector.broadcast %mul3A_205 : f32 to vector<16xf32>
      %mul3A_207 = arith.mulf %mul3A_206, %add3A_196 : vector<16xf32>
      %mul3A_208 = arith.mulf %mul3A_207, %bitcast3A_204 : vector<16xf32>
      %mul3A_209 = arith.mulf %mul3A_208, %bitcast3A_204 : vector<16xf32>
      %sub3A_210 = arith.constant 1.500000e+00 : f32
      %sub3A_211 = vector.broadcast %sub3A_210 : f32 to vector<16xf32>
      %sub3A_212 = arith.subf %sub3A_211, %mul3A_209 : vector<16xf32>
      %mul3A_213 = arith.mulf %bitcast3A_204, %sub3A_212 : vector<16xf32>
      %jit3A_214 = arith.constant 0.000000e+00 : f32
      %broadcast_in_dim3A_215 = vector.broadcast %jit3A_214 : f32 to vector<16xf32>
      %select_n3A_216 = arith.select %lt3A_193, %mul3A_213, %broadcast_in_dim3A_215 : vector<16xi1>, vector<16xf32>
      %add3A_217 = arith.addf %add3A_175, %select_n3A_216 : vector<16xf32>
      %add3A_218 = arith.constant 33024 : i32
      %add3A_219 = arith.addi %add3A_128, %add3A_218 : i32
      %get3A_220 = arith.index_cast %add3A_219 : i32 to index
      %get3A_221 = tpu.vector_load %arg8[%get3A_220] {strides = array<i32>} : memref<65536xi32, #tpu.memory_space<vmem>>, vector<16xi32>,
      %gather3A_222 = tpu.vector_load_idx %arg5[%get3A_221] : memref<16384xf32, #tpu.memory_space<vmem>>[vector<16xi32>], vector<16xf32>,
      %sub3A_223 = arith.subf %gather3A_222, %get3A_130 : vector<16xf32>
      %gather3A_224 = tpu.vector_load_idx %arg6[%get3A_221] : memref<16384xf32, #tpu.memory_space<vmem>>[vector<16xi32>], vector<16xf32>,
      %sub3A_225 = arith.subf %gather3A_224, %get3A_133 : vector<16xf32>
      %gather3A_226 = tpu.vector_load_idx %arg7[%get3A_221] : memref<16384xf32, #tpu.memory_space<vmem>>[vector<16xi32>], vector<16xf32>,
      %sub3A_227 = arith.subf %gather3A_226, %get3A_136 : vector<16xf32>
      %mul3A_228 = arith.mulf %sub3A_223, %sub3A_223 : vector<16xf32>
      %mul3A_229 = arith.mulf %sub3A_225, %sub3A_225 : vector<16xf32>
      %add3A_230 = arith.addf %mul3A_228, %mul3A_229 : vector<16xf32>
      %mul3A_231 = arith.mulf %sub3A_227, %sub3A_227 : vector<16xf32>
      %add3A_232 = arith.addf %add3A_230, %mul3A_231 : vector<16xf32>
      %lt3A_233 = arith.constant 2.500000e-03 : f32
      %lt3A_234 = vector.broadcast %lt3A_233 : f32 to vector<16xf32>
      %lt3A_235 = arith.cmpf olt, %add3A_232, %lt3A_234 : vector<16xf32>
      %add3A_236 = arith.constant 9.99999974E-5 : f32
      %add3A_237 = vector.broadcast %add3A_236 : f32 to vector<16xf32>
      %add3A_238 = arith.addf %add3A_232, %add3A_237 : vector<16xf32>
      %bitcast3A_239 = vector.bitcast %add3A_238 : vector<16xf32> to vector<16xi32>
      %shift_right_logical3A_240 = arith.constant 1 : i32
      %shift_right_logical3A_241 = vector.broadcast %shift_right_logical3A_240 : i32 to vector<16xi32>
      %shift_right_logical3A_242 = arith.shrui %bitcast3A_239, %shift_right_logical3A_241 : vector<16xi32>
      %sub3A_243 = arith.constant 1597463007 : i32
      %sub3A_244 = vector.broadcast %sub3A_243 : i32 to vector<16xi32>
      %sub3A_245 = arith.subi %sub3A_244, %shift_right_logical3A_242 : vector<16xi32>
      %bitcast3A_246 = vector.bitcast %sub3A_245 : vector<16xi32> to vector<16xf32>
      %mul3A_247 = arith.constant 5.000000e-01 : f32
      %mul3A_248 = vector.broadcast %mul3A_247 : f32 to vector<16xf32>
      %mul3A_249 = arith.mulf %mul3A_248, %add3A_238 : vector<16xf32>
      %mul3A_250 = arith.mulf %mul3A_249, %bitcast3A_246 : vector<16xf32>
      %mul3A_251 = arith.mulf %mul3A_250, %bitcast3A_246 : vector<16xf32>
      %sub3A_252 = arith.constant 1.500000e+00 : f32
      %sub3A_253 = vector.broadcast %sub3A_252 : f32 to vector<16xf32>
      %sub3A_254 = arith.subf %sub3A_253, %mul3A_251 : vector<16xf32>
      %mul3A_255 = arith.mulf %bitcast3A_246, %sub3A_254 : vector<16xf32>
      %jit3A_256 = arith.constant 0.000000e+00 : f32
      %broadcast_in_dim3A_257 = vector.broadcast %jit3A_256 : f32 to vector<16xf32>
      %select_n3A_258 = arith.select %lt3A_235, %mul3A_255, %broadcast_in_dim3A_257 : vector<16xi1>, vector<16xf32>
      %add3A_259 = arith.addf %add3A_217, %select_n3A_258 : vector<16xf32>
      %add3A_260 = arith.constant 33152 : i32
      %add3A_261 = arith.addi %add3A_128, %add3A_260 : i32
      %get3A_262 = arith.index_cast %add3A_261 : i32 to index
      %get3A_263 = tpu.vector_load %arg8[%get3A_262] {strides = array<i32>} : memref<65536xi32, #tpu.memory_space<vmem>>, vector<16xi32>,
      %gather3A_264 = tpu.vector_load_idx %arg5[%get3A_263] : memref<16384xf32, #tpu.memory_space<vmem>>[vector<16xi32>], vector<16xf32>,
      %sub3A_265 = arith.subf %gather3A_264, %get3A_130 : vector<16xf32>
      %gather3A_266 = tpu.vector_load_idx %arg6[%get3A_263] : memref<16384xf32, #tpu.memory_space<vmem>>[vector<16xi32>], vector<16xf32>,
      %sub3A_267 = arith.subf %gather3A_266, %get3A_133 : vector<16xf32>
      %gather3A_268 = tpu.vector_load_idx %arg7[%get3A_263] : memref<16384xf32, #tpu.memory_space<vmem>>[vector<16xi32>], vector<16xf32>,
      %sub3A_269 = arith.subf %gather3A_268, %get3A_136 : vector<16xf32>
      %mul3A_270 = arith.mulf %sub3A_265, %sub3A_265 : vector<16xf32>
      %mul3A_271 = arith.mulf %sub3A_267, %sub3A_267 : vector<16xf32>
      %add3A_272 = arith.addf %mul3A_270, %mul3A_271 : vector<16xf32>
      %mul3A_273 = arith.mulf %sub3A_269, %sub3A_269 : vector<16xf32>
      %add3A_274 = arith.addf %add3A_272, %mul3A_273 : vector<16xf32>
      %lt3A_275 = arith.constant 2.500000e-03 : f32
      %lt3A_276 = vector.broadcast %lt3A_275 : f32 to vector<16xf32>
      %lt3A_277 = arith.cmpf olt, %add3A_274, %lt3A_276 : vector<16xf32>
      %add3A_278 = arith.constant 9.99999974E-5 : f32
      %add3A_279 = vector.broadcast %add3A_278 : f32 to vector<16xf32>
      %add3A_280 = arith.addf %add3A_274, %add3A_279 : vector<16xf32>
      %bitcast3A_281 = vector.bitcast %add3A_280 : vector<16xf32> to vector<16xi32>
      %shift_right_logical3A_282 = arith.constant 1 : i32
      %shift_right_logical3A_283 = vector.broadcast %shift_right_logical3A_282 : i32 to vector<16xi32>
      %shift_right_logical3A_284 = arith.shrui %bitcast3A_281, %shift_right_logical3A_283 : vector<16xi32>
      %sub3A_285 = arith.constant 1597463007 : i32
      %sub3A_286 = vector.broadcast %sub3A_285 : i32 to vector<16xi32>
      %sub3A_287 = arith.subi %sub3A_286, %shift_right_logical3A_284 : vector<16xi32>
      %bitcast3A_288 = vector.bitcast %sub3A_287 : vector<16xi32> to vector<16xf32>
      %mul3A_289 = arith.constant 5.000000e-01 : f32
      %mul3A_290 = vector.broadcast %mul3A_289 : f32 to vector<16xf32>
      %mul3A_291 = arith.mulf %mul3A_290, %add3A_280 : vector<16xf32>
      %mul3A_292 = arith.mulf %mul3A_291, %bitcast3A_288 : vector<16xf32>
      %mul3A_293 = arith.mulf %mul3A_292, %bitcast3A_288 : vector<16xf32>
      %sub3A_294 = arith.constant 1.500000e+00 : f32
      %sub3A_295 = vector.broadcast %sub3A_294 : f32 to vector<16xf32>
      %sub3A_296 = arith.subf %sub3A_295, %mul3A_293 : vector<16xf32>
      %mul3A_297 = arith.mulf %bitcast3A_288, %sub3A_296 : vector<16xf32>
      %jit3A_298 = arith.constant 0.000000e+00 : f32
      %broadcast_in_dim3A_299 = vector.broadcast %jit3A_298 : f32 to vector<16xf32>
      %select_n3A_300 = arith.select %lt3A_277, %mul3A_297, %broadcast_in_dim3A_299 : vector<16xi1>, vector<16xf32>
      %add3A_301 = arith.addf %add3A_259, %select_n3A_300 : vector<16xf32>
      %add3A_302 = arith.constant 33280 : i32
      %add3A_303 = arith.addi %add3A_128, %add3A_302 : i32
      %get3A_304 = arith.index_cast %add3A_303 : i32 to index
      %get3A_305 = tpu.vector_load %arg8[%get3A_304] {strides = array<i32>} : memref<65536xi32, #tpu.memory_space<vmem>>, vector<16xi32>,
      %gather3A_306 = tpu.vector_load_idx %arg5[%get3A_305] : memref<16384xf32, #tpu.memory_space<vmem>>[vector<16xi32>], vector<16xf32>,
      %sub3A_307 = arith.subf %gather3A_306, %get3A_130 : vector<16xf32>
      %gather3A_308 = tpu.vector_load_idx %arg6[%get3A_305] : memref<16384xf32, #tpu.memory_space<vmem>>[vector<16xi32>], vector<16xf32>,
      %sub3A_309 = arith.subf %gather3A_308, %get3A_133 : vector<16xf32>
      %gather3A_310 = tpu.vector_load_idx %arg7[%get3A_305] : memref<16384xf32, #tpu.memory_space<vmem>>[vector<16xi32>], vector<16xf32>,
      %sub3A_311 = arith.subf %gather3A_310, %get3A_136 : vector<16xf32>
      %mul3A_312 = arith.mulf %sub3A_307, %sub3A_307 : vector<16xf32>
      %mul3A_313 = arith.mulf %sub3A_309, %sub3A_309 : vector<16xf32>
      %add3A_314 = arith.addf %mul3A_312, %mul3A_313 : vector<16xf32>
      %mul3A_315 = arith.mulf %sub3A_311, %sub3A_311 : vector<16xf32>
      %add3A_316 = arith.addf %add3A_314, %mul3A_315 : vector<16xf32>
      %lt3A_317 = arith.constant 2.500000e-03 : f32
      %lt3A_318 = vector.broadcast %lt3A_317 : f32 to vector<16xf32>
      %lt3A_319 = arith.cmpf olt, %add3A_316, %lt3A_318 : vector<16xf32>
      %add3A_320 = arith.constant 9.99999974E-5 : f32
      %add3A_321 = vector.broadcast %add3A_320 : f32 to vector<16xf32>
      %add3A_322 = arith.addf %add3A_316, %add3A_321 : vector<16xf32>
      %bitcast3A_323 = vector.bitcast %add3A_322 : vector<16xf32> to vector<16xi32>
      %shift_right_logical3A_324 = arith.constant 1 : i32
      %shift_right_logical3A_325 = vector.broadcast %shift_right_logical3A_324 : i32 to vector<16xi32>
      %shift_right_logical3A_326 = arith.shrui %bitcast3A_323, %shift_right_logical3A_325 : vector<16xi32>
      %sub3A_327 = arith.constant 1597463007 : i32
      %sub3A_328 = vector.broadcast %sub3A_327 : i32 to vector<16xi32>
      %sub3A_329 = arith.subi %sub3A_328, %shift_right_logical3A_326 : vector<16xi32>
      %bitcast3A_330 = vector.bitcast %sub3A_329 : vector<16xi32> to vector<16xf32>
      %mul3A_331 = arith.constant 5.000000e-01 : f32
      %mul3A_332 = vector.broadcast %mul3A_331 : f32 to vector<16xf32>
      %mul3A_333 = arith.mulf %mul3A_332, %add3A_322 : vector<16xf32>
      %mul3A_334 = arith.mulf %mul3A_333, %bitcast3A_330 : vector<16xf32>
      %mul3A_335 = arith.mulf %mul3A_334, %bitcast3A_330 : vector<16xf32>
      %sub3A_336 = arith.constant 1.500000e+00 : f32
      %sub3A_337 = vector.broadcast %sub3A_336 : f32 to vector<16xf32>
      %sub3A_338 = arith.subf %sub3A_337, %mul3A_335 : vector<16xf32>
      %mul3A_339 = arith.mulf %bitcast3A_330, %sub3A_338 : vector<16xf32>
      %jit3A_340 = arith.constant 0.000000e+00 : f32
      %broadcast_in_dim3A_341 = vector.broadcast %jit3A_340 : f32 to vector<16xf32>
      %select_n3A_342 = arith.select %lt3A_319, %mul3A_339, %broadcast_in_dim3A_341 : vector<16xi1>, vector<16xf32>
      %add3A_343 = arith.addf %add3A_301, %select_n3A_342 : vector<16xf32>
      %add3A_344 = arith.constant 33408 : i32
      %add3A_345 = arith.addi %add3A_128, %add3A_344 : i32
      %get3A_346 = arith.index_cast %add3A_345 : i32 to index
      %get3A_347 = tpu.vector_load %arg8[%get3A_346] {strides = array<i32>} : memref<65536xi32, #tpu.memory_space<vmem>>, vector<16xi32>,
      %gather3A_348 = tpu.vector_load_idx %arg5[%get3A_347] : memref<16384xf32, #tpu.memory_space<vmem>>[vector<16xi32>], vector<16xf32>,
      %sub3A_349 = arith.subf %gather3A_348, %get3A_130 : vector<16xf32>
      %gather3A_350 = tpu.vector_load_idx %arg6[%get3A_347] : memref<16384xf32, #tpu.memory_space<vmem>>[vector<16xi32>], vector<16xf32>,
      %sub3A_351 = arith.subf %gather3A_350, %get3A_133 : vector<16xf32>
      %gather3A_352 = tpu.vector_load_idx %arg7[%get3A_347] : memref<16384xf32, #tpu.memory_space<vmem>>[vector<16xi32>], vector<16xf32>,
      %sub3A_353 = arith.subf %gather3A_352, %get3A_136 : vector<16xf32>
      %mul3A_354 = arith.mulf %sub3A_349, %sub3A_349 : vector<16xf32>
      %mul3A_355 = arith.mulf %sub3A_351, %sub3A_351 : vector<16xf32>
      %add3A_356 = arith.addf %mul3A_354, %mul3A_355 : vector<16xf32>
      %mul3A_357 = arith.mulf %sub3A_353, %sub3A_353 : vector<16xf32>
      %add3A_358 = arith.addf %add3A_356, %mul3A_357 : vector<16xf32>
      %lt3A_359 = arith.constant 2.500000e-03 : f32
      %lt3A_360 = vector.broadcast %lt3A_359 : f32 to vector<16xf32>
      %lt3A_361 = arith.cmpf olt, %add3A_358, %lt3A_360 : vector<16xf32>
      %add3A_362 = arith.constant 9.99999974E-5 : f32
      %add3A_363 = vector.broadcast %add3A_362 : f32 to vector<16xf32>
      %add3A_364 = arith.addf %add3A_358, %add3A_363 : vector<16xf32>
      %bitcast3A_365 = vector.bitcast %add3A_364 : vector<16xf32> to vector<16xi32>
      %shift_right_logical3A_366 = arith.constant 1 : i32
      %shift_right_logical3A_367 = vector.broadcast %shift_right_logical3A_366 : i32 to vector<16xi32>
      %shift_right_logical3A_368 = arith.shrui %bitcast3A_365, %shift_right_logical3A_367 : vector<16xi32>
      %sub3A_369 = arith.constant 1597463007 : i32
      %sub3A_370 = vector.broadcast %sub3A_369 : i32 to vector<16xi32>
      %sub3A_371 = arith.subi %sub3A_370, %shift_right_logical3A_368 : vector<16xi32>
      %bitcast3A_372 = vector.bitcast %sub3A_371 : vector<16xi32> to vector<16xf32>
      %mul3A_373 = arith.constant 5.000000e-01 : f32
      %mul3A_374 = vector.broadcast %mul3A_373 : f32 to vector<16xf32>
      %mul3A_375 = arith.mulf %mul3A_374, %add3A_364 : vector<16xf32>
      %mul3A_376 = arith.mulf %mul3A_375, %bitcast3A_372 : vector<16xf32>
      %mul3A_377 = arith.mulf %mul3A_376, %bitcast3A_372 : vector<16xf32>
      %sub3A_378 = arith.constant 1.500000e+00 : f32
      %sub3A_379 = vector.broadcast %sub3A_378 : f32 to vector<16xf32>
      %sub3A_380 = arith.subf %sub3A_379, %mul3A_377 : vector<16xf32>
      %mul3A_381 = arith.mulf %bitcast3A_372, %sub3A_380 : vector<16xf32>
      %jit3A_382 = arith.constant 0.000000e+00 : f32
      %broadcast_in_dim3A_383 = vector.broadcast %jit3A_382 : f32 to vector<16xf32>
      %select_n3A_384 = arith.select %lt3A_361, %mul3A_381, %broadcast_in_dim3A_383 : vector<16xi1>, vector<16xf32>
      %add3A_385 = arith.addf %add3A_343, %select_n3A_384 : vector<16xf32>
      %add3A_386 = arith.constant 33536 : i32
      %add3A_387 = arith.addi %add3A_128, %add3A_386 : i32
      %get3A_388 = arith.index_cast %add3A_387 : i32 to index
      %get3A_389 = tpu.vector_load %arg8[%get3A_388] {strides = array<i32>} : memref<65536xi32, #tpu.memory_space<vmem>>, vector<16xi32>,
      %gather3A_390 = tpu.vector_load_idx %arg5[%get3A_389] : memref<16384xf32, #tpu.memory_space<vmem>>[vector<16xi32>], vector<16xf32>,
      %sub3A_391 = arith.subf %gather3A_390, %get3A_130 : vector<16xf32>
      %gather3A_392 = tpu.vector_load_idx %arg6[%get3A_389] : memref<16384xf32, #tpu.memory_space<vmem>>[vector<16xi32>], vector<16xf32>,
      %sub3A_393 = arith.subf %gather3A_392, %get3A_133 : vector<16xf32>
      %gather3A_394 = tpu.vector_load_idx %arg7[%get3A_389] : memref<16384xf32, #tpu.memory_space<vmem>>[vector<16xi32>], vector<16xf32>,
      %sub3A_395 = arith.subf %gather3A_394, %get3A_136 : vector<16xf32>
      %mul3A_396 = arith.mulf %sub3A_391, %sub3A_391 : vector<16xf32>
      %mul3A_397 = arith.mulf %sub3A_393, %sub3A_393 : vector<16xf32>
      %add3A_398 = arith.addf %mul3A_396, %mul3A_397 : vector<16xf32>
      %mul3A_399 = arith.mulf %sub3A_395, %sub3A_395 : vector<16xf32>
      %add3A_400 = arith.addf %add3A_398, %mul3A_399 : vector<16xf32>
      %lt3A_401 = arith.constant 2.500000e-03 : f32
      %lt3A_402 = vector.broadcast %lt3A_401 : f32 to vector<16xf32>
      %lt3A_403 = arith.cmpf olt, %add3A_400, %lt3A_402 : vector<16xf32>
      %add3A_404 = arith.constant 9.99999974E-5 : f32
      %add3A_405 = vector.broadcast %add3A_404 : f32 to vector<16xf32>
      %add3A_406 = arith.addf %add3A_400, %add3A_405 : vector<16xf32>
      %bitcast3A_407 = vector.bitcast %add3A_406 : vector<16xf32> to vector<16xi32>
      %shift_right_logical3A_408 = arith.constant 1 : i32
      %shift_right_logical3A_409 = vector.broadcast %shift_right_logical3A_408 : i32 to vector<16xi32>
      %shift_right_logical3A_410 = arith.shrui %bitcast3A_407, %shift_right_logical3A_409 : vector<16xi32>
      %sub3A_411 = arith.constant 1597463007 : i32
      %sub3A_412 = vector.broadcast %sub3A_411 : i32 to vector<16xi32>
      %sub3A_413 = arith.subi %sub3A_412, %shift_right_logical3A_410 : vector<16xi32>
      %bitcast3A_414 = vector.bitcast %sub3A_413 : vector<16xi32> to vector<16xf32>
      %mul3A_415 = arith.constant 5.000000e-01 : f32
      %mul3A_416 = vector.broadcast %mul3A_415 : f32 to vector<16xf32>
      %mul3A_417 = arith.mulf %mul3A_416, %add3A_406 : vector<16xf32>
      %mul3A_418 = arith.mulf %mul3A_417, %bitcast3A_414 : vector<16xf32>
      %mul3A_419 = arith.mulf %mul3A_418, %bitcast3A_414 : vector<16xf32>
      %sub3A_420 = arith.constant 1.500000e+00 : f32
      %sub3A_421 = vector.broadcast %sub3A_420 : f32 to vector<16xf32>
      %sub3A_422 = arith.subf %sub3A_421, %mul3A_419 : vector<16xf32>
      %mul3A_423 = arith.mulf %bitcast3A_414, %sub3A_422 : vector<16xf32>
      %jit3A_424 = arith.constant 0.000000e+00 : f32
      %broadcast_in_dim3A_425 = vector.broadcast %jit3A_424 : f32 to vector<16xf32>
      %select_n3A_426 = arith.select %lt3A_403, %mul3A_423, %broadcast_in_dim3A_425 : vector<16xi1>, vector<16xf32>
      %add3A_427 = arith.addf %add3A_385, %select_n3A_426 : vector<16xf32>
      %add3A_428 = arith.constant 33664 : i32
      %add3A_429 = arith.addi %add3A_128, %add3A_428 : i32
      %get3A_430 = arith.index_cast %add3A_429 : i32 to index
      %get3A_431 = tpu.vector_load %arg8[%get3A_430] {strides = array<i32>} : memref<65536xi32, #tpu.memory_space<vmem>>, vector<16xi32>,
      %gather3A_432 = tpu.vector_load_idx %arg5[%get3A_431] : memref<16384xf32, #tpu.memory_space<vmem>>[vector<16xi32>], vector<16xf32>,
      %sub3A_433 = arith.subf %gather3A_432, %get3A_130 : vector<16xf32>
      %gather3A_434 = tpu.vector_load_idx %arg6[%get3A_431] : memref<16384xf32, #tpu.memory_space<vmem>>[vector<16xi32>], vector<16xf32>,
      %sub3A_435 = arith.subf %gather3A_434, %get3A_133 : vector<16xf32>
      %gather3A_436 = tpu.vector_load_idx %arg7[%get3A_431] : memref<16384xf32, #tpu.memory_space<vmem>>[vector<16xi32>], vector<16xf32>,
      %sub3A_437 = arith.subf %gather3A_436, %get3A_136 : vector<16xf32>
      %mul3A_438 = arith.mulf %sub3A_433, %sub3A_433 : vector<16xf32>
      %mul3A_439 = arith.mulf %sub3A_435, %sub3A_435 : vector<16xf32>
      %add3A_440 = arith.addf %mul3A_438, %mul3A_439 : vector<16xf32>
      %mul3A_441 = arith.mulf %sub3A_437, %sub3A_437 : vector<16xf32>
      %add3A_442 = arith.addf %add3A_440, %mul3A_441 : vector<16xf32>
      %lt3A_443 = arith.constant 2.500000e-03 : f32
      %lt3A_444 = vector.broadcast %lt3A_443 : f32 to vector<16xf32>
      %lt3A_445 = arith.cmpf olt, %add3A_442, %lt3A_444 : vector<16xf32>
      %add3A_446 = arith.constant 9.99999974E-5 : f32
      %add3A_447 = vector.broadcast %add3A_446 : f32 to vector<16xf32>
      %add3A_448 = arith.addf %add3A_442, %add3A_447 : vector<16xf32>
      %bitcast3A_449 = vector.bitcast %add3A_448 : vector<16xf32> to vector<16xi32>
      %shift_right_logical3A_450 = arith.constant 1 : i32
      %shift_right_logical3A_451 = vector.broadcast %shift_right_logical3A_450 : i32 to vector<16xi32>
      %shift_right_logical3A_452 = arith.shrui %bitcast3A_449, %shift_right_logical3A_451 : vector<16xi32>
      %sub3A_453 = arith.constant 1597463007 : i32
      %sub3A_454 = vector.broadcast %sub3A_453 : i32 to vector<16xi32>
      %sub3A_455 = arith.subi %sub3A_454, %shift_right_logical3A_452 : vector<16xi32>
      %bitcast3A_456 = vector.bitcast %sub3A_455 : vector<16xi32> to vector<16xf32>
      %mul3A_457 = arith.constant 5.000000e-01 : f32
      %mul3A_458 = vector.broadcast %mul3A_457 : f32 to vector<16xf32>
      %mul3A_459 = arith.mulf %mul3A_458, %add3A_448 : vector<16xf32>
      %mul3A_460 = arith.mulf %mul3A_459, %bitcast3A_456 : vector<16xf32>
      %mul3A_461 = arith.mulf %mul3A_460, %bitcast3A_456 : vector<16xf32>
      %sub3A_462 = arith.constant 1.500000e+00 : f32
      %sub3A_463 = vector.broadcast %sub3A_462 : f32 to vector<16xf32>
      %sub3A_464 = arith.subf %sub3A_463, %mul3A_461 : vector<16xf32>
      %mul3A_465 = arith.mulf %bitcast3A_456, %sub3A_464 : vector<16xf32>
      %jit3A_466 = arith.constant 0.000000e+00 : f32
      %broadcast_in_dim3A_467 = vector.broadcast %jit3A_466 : f32 to vector<16xf32>
      %select_n3A_468 = arith.select %lt3A_445, %mul3A_465, %broadcast_in_dim3A_467 : vector<16xi1>, vector<16xf32>
      %add3A_469 = arith.addf %add3A_427, %select_n3A_468 : vector<16xf32>
      scf.yield %add3A_469 : vector<16xf32>
    }
    %scan3A_112 = arith.constant 256 : i32
    %swap3A = arith.constant 0 : index
    %swap3A_113 = tpu.vector_load %arg9[%swap3A] {strides = array<i32>} : memref<16xf32, #tpu.memory_space<vmem>>, vector<16xf32>,
    tpu.vector_store %arg9[%swap3A], %scan3A_111 {strides = array<i32>} : memref<16xf32, #tpu.memory_space<vmem>>, vector<16xf32>,
    %mul3A_114 = arith.constant 16 : i32
    %mul3A_115 = arith.muli %add3A, %mul3A_114 : i32
    "tpu.region"() ({
      %run_scoped3A = tpu.sem_alloc : memref<!tpu.dma_semaphore, #tpu.memory_space<semaphore_mem>>
      %dma_start3A_116 = tpu.memref_slice %arg4[%mul3A_115] : memref<512xf32, #tpu.memory_space<hbm>> -> memref<16xf32, #tpu.memory_space<hbm>>
      %dma_start3A_117 = tpu.memref_slice %arg4[%mul3A_115] : memref<512xf32, #tpu.memory_space<hbm>> -> memref<16xf32, #tpu.memory_space<hbm>>
      tpu.enqueue_dma source(%arg9 : memref<16xf32, #tpu.memory_space<vmem>>) target(%dma_start3A_117 : memref<16xf32, #tpu.memory_space<hbm>>) target_semaphore(%run_scoped3A : memref<!tpu.dma_semaphore, #tpu.memory_space<semaphore_mem>>)
      %dma_wait3A_118 = tpu.memref_slice %arg4[%mul3A_115] : memref<512xf32, #tpu.memory_space<hbm>> -> memref<16xf32, #tpu.memory_space<hbm>>
      %dma_wait3A_119 = tpu.memref_slice %arg4[%mul3A_115] : memref<512xf32, #tpu.memory_space<hbm>> -> memref<16xf32, #tpu.memory_space<hbm>>
      tpu.wait_dma2 semaphore(%run_scoped3A : memref<!tpu.dma_semaphore, #tpu.memory_space<semaphore_mem>>) src(%arg9 : memref<16xf32, #tpu.memory_space<vmem>>) dst(%dma_wait3A_119 : memref<16xf32, #tpu.memory_space<hbm>>)
      tpu.yield
    }) : () -> ()
    return
  }
}

</mosaic_0001>

<sc_bundles>
// kernel: kernel.3.cloned.1.call-start
scs
__scs_entry_jumppad:
0x0: {  	(pc) =	sbr.rel $0x88, $3  }
0x1: {  	(tag) =	ssettag $0x0;
	lr =	simm.s32 $0x1  }
0x2: {  	[smem:$0x3F9F] =	sst lr;
	_ =	strace $0xD0000000  }
0x3: {  	_ = 	snop  }
0x4: {  	_ = 	snop  }
0x5: {  	_ = 	snop  }
0x6: {  	_ = 	snop  }
0x7: {  	_ = 	snop  }
__scs_overlays_trampoline_lowered:
0x8: {  	[smem:$0x3FAE] =	sst s0  }
0x9: {  	[smem:$0x3FAF] =	sst s1  }
0xa: {  	[smem:$0x3FB0] =	sst s2  }
0xb: {  	[smem:$0x3FB1] =	sst s3  }
0xc: {  	[smem:$0x3FB2] =	sst s4  }
0xd: {  	[smem:$0x3FB3] =	sst s5  }
0xe: {  	[smem:$0x3FB4] =	sst s6  }
0xf: {  	[smem:$0x3FB5] =	sst s7  }
0x10: {  	[smem:$0x3FB6] =	sst s8  }
0x11: {  	[smem:$0x3FB7] =	sst s9;
	s0 =	simm.s32 @!p0 $0x0  }
0x12: {  	s1 =	sld [smem:$0x3F9D];
	s0 =	simm.s32 @p0 $0x1  }
0x13: {  	[smem:$0x3FB8] =	sst s0;
	s0 =	simm.s32 @!p1 $0x0  }
0x14: {  	s2 =	sld [smem:$0x3F9C];
	s0 =	simm.s32 @p1 $0x1  }
0x15: {  	[smem:$0x3FB9] =	sst s0;
	s0 =	simm.s32 @!p2 $0x0  }
0x16: {  	s3 =	sld [smem:$0x3FDB];
	s0 =	simm.s32 @p2 $0x1  }
0x17: {  	s4 =	simm.s32 $0x1BF5;
	[smem:$0x3FBB] =	sst s0  }
0x18: {  	s0 =	sld [smem:$0x3F9E];
	_ =	swait.ge [sflag:s4], $0x0  }
0x19: {  	s7 =	sld [smem:$0x3F9F]  }
0x1a: {  	s8 =	sadd.s32 $0xFFFFE003, lr  }
0x1b: {  	s9 =	sadd.s32 $0xFFFFFEF7, lr;
	s5 =	simm.s32 $0xFFFFFFFF;
	p2 =	slt.u32 s8, $0xFFFFF086  }
0x1c: {  	p1 =	slt.u32 s9, $0xF7A;
	s5 =	simm.s32 @!p2 $0x0  }
0x1d: {  	s5 =	simm.s32 @p1 $0x1;
	p0 =	seq.s32 s7, s2  }
0x1e: {  	s7 =	smul.u32 @!p0 $0xF7A, s2;
	p2 =	seq.s32 @!p0 s5, $0x0  }
0x1f: {  	s9 =	smul.u32 $0xF7A, s1;
	s8 =	simm.s32 @!p0 $0x1BF5;
	p2 =	por !p2, p0  }
0x20: {  	[sflag:s8] =	ssyncset.s32 @!p0 $0xFFFFF086;
	s6 =	sadd.s32 @!p0 s3, s7;
	s7 =	simm.s32 @!p0 $0x108  }
0x21: {  	s3 =	sadd.s32 s3, s9;
	s6 =	sadd.s32 @!p0 $0x88, s6;
	s7 =	simm.s32 @p2 $0x1082  }
0x22: {  	[simem:s7], [sflag:s8] =	dma.local @!p0 [hbm:s6], $0xF7A  }
0x23: {  	s9 =	sor.u32 $0xD0000000, s2;
	s6 =	simm.s32 $0x108;
	_ =	swait.ge @!p0 [sflag:s8], $0x0  }
0x24: {  	s3 =	sadd.s32 $0x88, s3;
	s6 =	simm.s32 @!p1 $0x1082;
	[sflag:s4] =	ssyncset.s32 $0xFFFFF086  }
0x25: {  	[simem:s6], [sflag:s4] =	dma.local [hbm:s3], $0xF7A  }
0x26: {  	[smem:$0x3F9F] =	sst s1;
	(tag) =	ssettag s2;
	_ =	strace s9  }
0x27: {  	s1 =	sld [smem:$0x3FAF]  }
0x28: {  	s2 =	sld [smem:$0x3FB0]  }
0x29: {  	s4 =	sld [smem:$0x3FB2]  }
0x2a: {  	p0 =	seq.s32 s5, $0x0;
	s5 =	sld [smem:$0x3FB3]  }
0x2b: {  	s6 =	sld [smem:$0x3FB4]  }
0x2c: {  	s7 =	sld [smem:$0x3FB5]  }
0x2d: {  	s3 =	simm.s32 $0x108;
	s8 =	sld [smem:$0x3FB6]  }
0x2e: {  	s3 =	simm.s32 @!p0 $0x1082;
	s9 =	sld [smem:$0x3FB7]  }
0x2f: {  	lr =	sadd.s32 s0, s3;
	s0 =	sld [smem:$0x3FAE]  }
0x30: {  	s3 =	sld [smem:$0x3FB1]  }
0x31: {  	[smem:$0x3FBA] =	sst s10  }
0x32: {  	s10 =	sld [smem:$0x3FB8];
	_ =	sdelay $0x3  }
0x33: {  	p0 =	seq.s32 s10, $0x1;
	s10 =	sld [smem:$0x3FBA];
	_ =	sdelay $0x3  }
0x34: {  	[smem:$0x3FBA] =	sst s10  }
0x35: {  	s10 =	sld [smem:$0x3FB9];
	_ =	sdelay $0x3  }
0x36: {  	p1 =	seq.s32 s10, $0x1;
	s10 =	sld [smem:$0x3FBA];
	_ =	sdelay $0x3  }
0x37: {  	[smem:$0x3FBA] =	sst s10  }
0x38: {  	s10 =	sld [smem:$0x3FBB]  }
0x39: {  	_ = 	snop;
	(pc) =	sbr.ind lr, $3  }
0x3a: {  	_ = 	snop  }
0x3b: {  	_ = 	snop  }
0x3c: {  	p2 =	seq.s32 s10, $0x1;
	s10 =	sld [smem:$0x3FBA]  }
0x3d: {  	_ =	shalt  }
0x3e: {  	_ =	shalt  }
0x3f: {  	_ =	shalt  }
0x40: {  	_ =	shalt  }
0x41: {  	_ =	shalt  }
0x42: {  	_ =	shalt  }
0x43: {  	_ =	shalt  }
0x44: {  	_ =	shalt  }
0x45: {  	_ =	shalt  }
0x46: {  	_ =	shalt  }
0x47: {  	_ =	shalt  }
0x48: {  	_ =	shalt  }
0x49: {  	_ =	shalt  }
0x4a: {  	_ =	shalt  }
0x4b: {  	_ =	shalt  }
0x4c: {  	_ =	shalt  }
0x4d: {  	_ =	shalt  }
0x4e: {  	_ =	shalt  }
0x4f: {  	_ =	shalt  }
0x50: {  	_ =	shalt  }
0x51: {  	_ =	shalt  }
0x52: {  	_ =	shalt  }
0x53: {  	_ =	shalt  }
0x54: {  	_ =	shalt  }
0x55: {  	_ =	shalt  }
0x56: {  	_ =	shalt  }
0x57: {  	_ =	shalt  }
0x58: {  	_ =	shalt  }
0x59: {  	_ =	shalt  }
0x5a: {  	_ =	shalt  }
0x5b: {  	_ =	shalt  }
0x5c: {  	_ =	shalt  }
0x5d: {  	_ =	shalt  }
0x5e: {  	_ =	shalt  }
0x5f: {  	_ =	shalt  }
0x60: {  	_ =	shalt  }
0x61: {  	_ =	shalt  }
0x62: {  	_ =	shalt  }
0x63: {  	_ =	shalt  }
0x64: {  	_ =	shalt  }
0x65: {  	_ =	shalt  }
0x66: {  	_ =	shalt  }
0x67: {  	_ =	shalt  }
0x68: {  	_ =	shalt  }
0x69: {  	_ =	shalt  }
0x6a: {  	_ =	shalt  }
0x6b: {  	_ =	shalt  }
0x6c: {  	_ =	shalt  }
0x6d: {  	_ =	shalt  }
0x6e: {  	_ =	shalt  }
0x6f: {  	_ =	shalt  }
0x70: {  	_ =	shalt  }
0x71: {  	_ =	shalt  }
0x72: {  	_ =	shalt  }
0x73: {  	_ =	shalt  }
0x74: {  	_ =	shalt  }
0x75: {  	_ =	shalt  }
0x76: {  	_ =	shalt  }
0x77: {  	_ =	shalt  }
0x78: {  	_ =	shalt  }
0x79: {  	_ =	shalt  }
0x7a: {  	_ =	shalt  }
0x7b: {  	_ =	shalt  }
0x7c: {  	_ =	shalt  }
0x7d: {  	_ =	shalt  }
0x7e: {  	_ =	shalt  }
0x7f: {  	_ =	shalt  }
0x80: {  	_ =	shalt  }
0x81: {  	_ =	shalt  }
0x82: {  	_ =	shalt  }
0x83: {  	_ =	shalt  }
0x84: {  	_ =	shalt  }
0x85: {  	_ =	shalt  }
0x86: {  	_ =	shalt  }
0x87: {  	_ =	shalt  }
.Lfunc_end0:
.L_simem_size_0:
called_computation_lowered:
.L_overlay_start_0:
0x88: {  	s2 =	sld [smem:$0x3FD9]  }
0x89: {  	s3 =	sld [smem:$0x3FFE];
	_ =	sdelay $0x1  }
0x8a: {  	s1 =	srdreg.scid  }
0x8b: {  	s0 =	sand.u32 $0x1, s1  }
0x8c: {  	s17 =	sshll.u32 s0, $0xA;
	s2 =	sadd.s32 s3, s2  }
0x8d: {  	s2 =	sadd.s32 s2, s17  }
0x8e: {  	[smem:$0x3FC6] =	sst s2  }
0x8f: {  	_ = 	snop  }
0x90: {  	s2 =	sld [smem:$0x3FC8];
	(tm) =	ssettm $0x1  }
0x91: {  	s18 =	sld [smem:$0x3FFB];
	_ =	sdelay $0x3  }
0x92: {  	_ =	strace s18  }
0x93: {  	s3 =	sld [smem:$0x3FFC];
	_ =	sdelay $0x3  }
0x94: {  	_ =	strace s3  }
0x95: {  	s3 =	sld [smem:$0x3FFD];
	_ =	sdelay $0x3  }
0x96: {  	_ =	strace s3  }
0x97: {  	_ =	strace $0x8FFFFFFF  }
0x98: {  	s19 =	sld [smem:$0x3FDB];
	_ =	sdelay $0x1  }
0x99: {  	s4 =	simm.s32 $_scs_section_size  }
0x9a: {  	s5 =	simm.s32 $_size__tile_overlayer_lowered;
	s6 =	simm.s32 $_tile_overlayer_lowered  }
0x9b: {  	s22 =	simm.s32 $0x1BFF;
	s21 =	sshll.u32 s6, $0x1;
	s3 =	sadd.s32 s4, s19  }
0x9c: {  	s7 =	simm.s32 $0x0;
	s20 =	sshll.u32 s5, $0x1;
	s5 =	sadd.s32 s21, s3  }
0x9d: {  	[timem:s7], [sflag:s22] =	dma.local [hbm:s5], s20  }
0x9e: {  	_ =	swait.ge [sflag:s22], s20  }
0x9f: {  	s4 =	ssub.s32 $0x0, s20;
	[sflag:s22] =	ssyncset.done $0x0  }
0xa0: {  	[sflag:s22] =	ssyncadd.s32 s4;
	_ =	sdelay $0x1  }
0xa1: {  	s23 =	simm.s32 $0x1B8B  }
0xa2: {  	_ =	swait.ge [sflag:s23], $0x1  }
0xa3: {  	[sflag:s23] =	ssyncset.done $0x0  }
0xa4: {  	s25 =	simm.s32 $0x1B8E;
	s24 =	sld [smem:$0x3FFE];
	[sflag:s23] =	ssyncadd.s32 $0xFFFFFFFF  }
0xa5: {  	s26 =	simm.s32 $execute0_lowered;
	[smem:$0x3FD2] =	sst s25  }
0xa6: {  	s5 =	sshll.u32 s26, $0x1;
	_ =	strace $0x80000046;
	[dreg:$0x1] =	wrdreg $0xFFFFFFFF  }
0xa7: {  	s28 =	simm.s32 $_size_execute0_lowered;
	s3 =	sadd.s32 s3, s5;
	[dreg:$0x0] =	wrdreg $0x0  }
0xa8: {  	s5 =	sshll.u32 s28, $0x1;
	[dreg:$0x2] =	wrdreg s3  }
0xa9: {  	[dreg:$0x3] =	wrdreg s5  }
0xaa: {  	[dreg:$0x4] =	wrdreg $0xC0  }
0xab: {  	_ =	task [dreg:s7], $0x5FFFF  }
0xac: {  	[dreg:$0x1] =	wrdreg $0xFFFFFFFF  }
0xad: {  	[dreg:$0x0] =	wrdreg $0x60  }
0xae: {  	[dreg:$0x2] =	wrdreg s24  }
0xaf: {  	[dreg:$0x3] =	wrdreg s2  }
0xb0: {  	[dreg:$0x4] =	wrdreg $0x9  }
0xb1: {  	_ =	task.clear_ibuf [dreg:s7], $0x5FFFF;
	_ =	strace $0x90000046  }
0xb2: {  	s29 =	simm.s32 $0x9;
	_ =	strace $0x80000048  }
0xb3: {  	_ =	swait.ge [sflag:s29], $0x1  }
0xb4: {  	[sflag:s29] =	ssyncadd.s32 $0xFFFFFFFF  }
0xb5: {  	_ =	strace $0x90000048  }
0xb6: {  	_ =	sfence  }
0xb7: {  	s30 =	sld [smem:$0x0];
	_ =	sdelay $0x2  }
0xb8: {  	s31 =	sshll.u32 s1, $0xD;
	s1 =	sshrl.u32 s1, $0x2  }
0xb9: {  	s3 =	sand.u32 $0x4000, s31;
	s1 =	sadd.s32 s1, s30  }
0xba: {  	s0 =	sor.u32 s3, s0;
	s1 =	sshll.u32 s1, $0x11  }
0xbb: {  	s0 =	sor.u32 s1, s0  }
0xbc: {  	s0 =	sadd.s32 $0x8F2B, s0  }
0xbd: {  	[sflag:s0] =	ssyncadd.remote.s32 $0x1  }
0xbe: {  	_ =	sfence.sel $0xFFFF  }
0xbf: {  	[dreg:$0x0] =	wrdreg $0xFFFFFFFF;
	(pc) =	sbr.abs _section_cstart, $3  }
0xc0: {  	[dreg:$0x1] =	wrdreg $0xFFFFFFFF  }
0xc1: {  	_ =	task.clear_ibuf [dreg:s7], $0x2FFFF;
	_ =	strace $0x9FFFFFFF  }
0xc2: {  	(tm) =	ssettm $0x7FFFFFFF  }
0xc3: {  	_ =	shalt  }
tec
execute0_lowered:
.L_overlay_start_1:
0x0: {  	(tag) =	ssettag $0x1  }
0x1: {  	s0 =	rddreg [dreg:$0x0]  }
0x2: {  	s1 =	rddreg [dreg:$0x1]  }
0x3: {  	s3 =	srdreg.scid;
	s11 =	stileid.u32;
	s2 =	simm.s32 $0x0  }
0x4: {  	s13 =	simm.s32 $0x4000;
	s14 =	simm.s32 $0x8000;
	s17 =	simm.s32 $0x1  }
0x5: {  	s18 =	simm.s32 $0x2;
	s19 =	simm.s32 $0x3;
	s21 =	simm.s32 $0x4  }
0x6: {  	s22 =	simm.s32 $0x0;
	s6 =	sand.u32 $0x1, s3;
	s25 =	sshll.u32 s11, $0x1  }
0x7: {  	[smem:$0x7FF] =	sst s2;
	s5 =	sshrl.u32 s11, $0x1;
	s30 =	sshll.u32 s11, $0xD  }
0x8: {  	s3 =	sor.u32 s6, s25;
	_ =	strace $0x80000047;
	s26 =	ssub.s32 $0x2, s6  }
0x9: {  	s9 =	sshll.u32 s5, $0xB;
	s28 =	sshll.u32 s5, $0xF;
	s31 =	sshll.u32 s6, $0xC  }
0xa: {  	s4 =	sshll.u32 s3, $0x1;
	s7 =	sshrl.u32 s26, $0x1;
	s3 =	sshll.u32 s3, $0xC  }
0xb: {  	s8 =	sadd.s32 s4, s0;
	s10 =	sand.u32 $0x3000, s3;
	s3 =	sadd.s32 s0, s9  }
0xc: {  	s29 =	ssub.s32 s26, s7;
	s4 =	sadd.s32 $0x4000, s3;
	s0 =	sor.u32 s28, s10  }
0xd: {  	s6 =	sadd.s32 $0x8000, s3;
	s5 =	sadd.s32 s1, s0;
	s0 =	sor.u32 s31, s30  }
0xe: {  	s8 =	sadd.s32 $0xC000, s8;
	s9 =	smax.u32 s29, $0x1;
	s10 =	sand.u32 $0x3000, s0  }
0xf: {  	s7 =	sadd.s32 $0x4000, s5;
	s11 =	sor.u32 $0x8000, s10;
	s12 =	sor.u32 $0x4000, s10  }
.LBB2_1:
0x10: {  	[tilespmem:s2], [sflag:$0x1] =	stream.linear.gather [hbm4b:s3+s2], $0x4000, $0x38;
	[tilespmem:$0x1C080] =	vst v63  }
0x11: {  	_ = 	snop  }
0x12: {  	[tilespmem:s13], [sflag:$0x1] =	stream.linear.gather [hbm4b:s4+s2], $0x4000, $0x38;
	[tilespmem:$0x1C080] =	vst v63  }
0x13: {  	_ = 	snop  }
0x14: {  	[tilespmem:s14], [sflag:$0x1] =	stream.linear.gather [hbm4b:s6+s2], $0x4000, $0x38;
	[tilespmem:$0x1C080] =	vst v63  }
0x15: {  	s0 =	simm.s32 $0xC000  }
0x16: {  	[tilespmem:s0], [sflag:$0x2] =	stream.linear.gather [hbm4b:s5+s2], $0x8000, $0x38;
	[tilespmem:$0x1C080] =	vst v63  }
0x17: {  	s1 =	simm.s32 $0x14000  }
0x18: {  	[tilespmem:s1], [sflag:$0x3] =	stream.linear.gather [hbm4b:s7+s2], $0x8000, $0x38;
	[tilespmem:$0x1C080] =	vst v63  }
0x19: {  	_ =	swait.ge [sflag:s17], $0x4000  }
0x1a: {  	[sflag:s17] =	ssyncset.done $0x0  }
0x1b: {  	[sflag:s17] =	ssyncadd.s32 $0xFFFFC000  }
0x1c: {  	_ =	swait.ge [sflag:s17], $0x4000  }
0x1d: {  	[sflag:s17] =	ssyncset.done $0x0  }
0x1e: {  	[sflag:s17] =	ssyncadd.s32 $0xFFFFC000  }
0x1f: {  	_ =	swait.ge [sflag:s17], $0x4000  }
0x20: {  	[sflag:s17] =	ssyncset.done $0x0  }
0x21: {  	[sflag:s17] =	ssyncadd.s32 $0xFFFFC000  }
0x22: {  	_ =	swait.ge [sflag:s18], $0x8000  }
0x23: {  	[sflag:s18] =	ssyncset.done $0x0  }
0x24: {  	[sflag:s18] =	ssyncadd.s32 $0xFFFF8000  }
0x25: {  	s15 =	sand.u32 $0x7, s2;
	s23 =	sand.u32 $0x70, s2;
	s1 =	sand.u32 $0x7C00, s2;
	v1 =	vld [tilespmem:s12+$0x0]  }
0x26: {  	s0 =	sshll.u32 s15, $0x4;
	s1 =	sor.u32 s23, s1;
	v2 =	vld [tilespmem:s11+$0x0]  }
0x27: {  	s0 =	sadd.s32 $0x0, s0;
	v0 =	vld [tilespmem:s1+$0xC300]  }
0x28: {  	s0 =	sor.u32 $0x380, s0;
	v4 =	vld [tilespmem:s1+$0xC280]  }
0x29: {  	v5 =	vld [tilespmem:s0+$0xC000]  }
0x2a: {  	v3 =	vld [tilespmem:s10+$0x0]  }
0x2b: {  	v6 =	vld [tilespmem:s1+$0xC180]  }
0x2c: {  	v7 =	vld [tilespmem:s1+$0xC200]  }
0x2d: {  	v9 =	vld [tilespmem:s1+$0xC100]  }
0x2e: {  	v10 =	vld [tilespmem:s1+$0xC080]  }
0x2f: {  	v11 =	vld.idx.msk [tilespmem:v0+s13+$0x0], $0xffff  }
0x30: {  	v12 =	vld.idx.msk [tilespmem:v4+s14+$0x0], $0xffff  }
0x31: {  	v13 =	vld.idx.msk [tilespmem:v5+s14+$0x0], $0xffff  }
0x32: {  	v14 =	vld.idx.msk [tilespmem:v0+s14+$0x0], $0xffff  }
0x33: {  	v15 =	vld.idx.msk [tilespmem:v5+s2+$0x0], $0xffff  }
0x34: {  	v5 =	vld.idx.msk [tilespmem:v5+s13+$0x0], $0xffff  }
0x35: {  	v0 =	vld.idx.msk [tilespmem:v0+s2+$0x0], $0xffff  }
0x36: {  	v16 =	vld.idx.msk [tilespmem:v4+s2+$0x0], $0xffff  }
0x37: {  	v17 =	vld.idx.msk [tilespmem:v6+s14+$0x0], $0xffff  }
0x38: {  	v18 =	vld.idx.msk [tilespmem:v7+s14+$0x0], $0xffff  }
0x39: {  	v4 =	vld.idx.msk [tilespmem:v4+s13+$0x0], $0xffff  }
0x3a: {  	v19 =	vld.idx.msk [tilespmem:v7+s13+$0x0], $0xffff  }
0x3b: {  	v21 =	vld.idx.msk [tilespmem:v10+s14+$0x0], $0xffff  }
0x3c: {  	v7 =	vld.idx.msk [tilespmem:v7+s2+$0x0], $0xffff  }
0x3d: {  	v22 =	vld.idx.msk [tilespmem:v10+s13+$0x0], $0xffff;
	v11 =	vsub.f32 v11, v1;
	v20 =	vsub.f32 v12, v2  }
0x3e: {  	v10 =	vld.idx.msk [tilespmem:v10+s2+$0x0], $0xffff;
	v15 =	vsub.f32 v15, v3;
	v13 =	vsub.f32 v13, v2  }
0x3f: {  	v23 =	vld.idx.msk [tilespmem:v6+s2+$0x0], $0xffff;
	v5 =	vsub.f32 v5, v1;
	v0 =	vsub.f32 v0, v3  }
0x40: {  	v6 =	vld.idx.msk [tilespmem:v6+s13+$0x0], $0xffff;
	v16 =	vsub.f32 v16, v3;
	v14 =	vsub.f32 v14, v2  }
0x41: {  	v12 =	vimm.f32 $0.0e+00;
	v17 =	vsub.f32 v17, v2;
	v18 =	vsub.f32 v18, v2  }
0x42: {  	v4 =	vsub.f32 v4, v1;
	v19 =	vsub.f32 v19, v1;
	v11 =	vmul.f32 v11, v11  }
0x43: {  	v8 =	vld [tilespmem:s1+$0xC000];
	v7 =	vsub.f32 v7, v3;
	v15 =	vmul.f32 v15, v15;
	v0 =	vmul.f32 v0, v0  }
0x44: {  	s16 =	simm.s32 $0x10;
	s20 =	simm.s32 $0x80;
	v10 =	vsub.f32 v10, v3;
	v5 =	vmul.f32 v5, v5;
	v14 =	vmul.f32 v14, v14  }
0x45: {  	s1 =	sand.u32 $0x7C00, s20;
	s0 =	sand.u32 $0x70, s16;
	v24 =	vld.idx.msk [tilespmem:v9+s14+$0x0], $0xffff;
	v6 =	vsub.f32 v6, v1;
	v16 =	vmul.f32 v16, v16;
	v4 =	vmul.f32 v4, v4  }
0x46: {  	s0 =	sor.u32 s0, s1;
	v20 =	vmul.f32 v20, v20;
	v10 =	vmul.f32 v10, v10;
	v0 =	vadd.f32 v11, v0  }
0x47: {  	v27 =	vld [tilespmem:s0+$0xC080];
	v7 =	vmul.f32 v7, v7;
	v11 =	vsub.f32 v21, v2;
	v21 =	vsub.f32 v22, v1  }
0x48: {  	v13 =	vmul.f32 v13, v13;
	v5 =	vadd.f32 v5, v15;
	v15 =	vld.idx.msk [tilespmem:v9+s13+$0x0], $0xffff;
	v4 =	vadd.f32 v4, v16  }
0x49: {  	v9 =	vld.idx.msk [tilespmem:v9+s2+$0x0], $0xffff;
	v0 =	vadd.f32 v14, v0;
	v14 =	vsub.f32 v23, v3;
	v16 =	vmul.f32 v21, v21  }
0x4a: {  	v25 =	vld [tilespmem:s0+$0xC100];
	v6 =	vmul.f32 v6, v6;
	v21 =	vsub.f32 v24, v2;
	v20 =	vadd.f32 v20, v4  }
0x4b: {  	v22 =	vld.idx.msk [tilespmem:v8+s14+$0x0], $0xffff;
	v5 =	vadd.f32 v13, v5;
	v4 =	vadd.f32 v16, v10;
	v10 =	vmul.f32 v11, v11  }
0x4c: {  	v11 =	vmul.f32 v19, v19;
	v14 =	vmul.f32 v14, v14;
	v28 =	vadd.f32 $9.999999740e-05, v0  }
0x4d: {  	v32 =	vadd.f32 $9.999999740e-05, v5;
	vm4 =	vlt.f32 v20, $2.499999940e-03;
	v15 =	vsub.f32 v15, v1  }
0x4e: {  	v16 =	vld.idx.msk [tilespmem:v8+s2+$0x0], $0xffff;
	vm3 =	vlt.f32 v0, $2.499999940e-03;
	v9 =	vsub.f32 v9, v3;
	v19 =	vadd.f32 v10, v4  }
0x4f: {  	v7 =	vadd.f32 v11, v7;
	v11 =	vmul.f32 v17, v17;
	v6 =	vadd.f32 v6, v14  }
0x50: {  	v4 =	vsub.f32 v22, v2;
	v2 =	vld.idx.msk [tilespmem:v8+s13+$0x0], $0xffff;
	v8 =	vmul.f32 v15, v15;
	v9 =	vmul.f32 v9, v9  }
0x51: {  	v56 =	vld.idx.msk [tilespmem:v27+s14+$0x0], $0xffff;
	v52 =	vshrl.u32 v32, $0x1;
	v10 =	vadd.f32 $9.999999740e-05, v19;
	v6 =	vadd.f32 v11, v6  }
0x52: {  	v36 =	vld.idx.msk [tilespmem:v25+s14+$0x0], $0xffff;
	vm2 =	vlt.f32 v19, $2.499999940e-03;
	v19 =	vadd.f32 $9.999999740e-05, v20;
	v8 =	vadd.f32 v8, v9  }
0x53: {  	v9 =	vmul.f32 v21, v21;
	v3 =	vsub.f32 v16, v3;
	v16 =	vmul.f32 v18, v18;
	v21 =	vld [tilespmem:s0+$0xC300]  }
0x54: {  	v24 =	vld [tilespmem:s0+$0xC000];
	v14 =	vshrl.u32 v10, $0x1;
	v10 =	vmul.f32 $5.000000000e-01, v10;
	v17 =	vadd.f32 $9.999999740e-05, v6  }
0x55: {  	s26 =	simm.s32 $0x1;
	s23 =	sadd.s32 $0x10, s11;
	vm1 =	vlt.f32 v6, $2.499999940e-03;
	v6 =	vld [tilespmem:s0+$0xC180];
	v26 =	vshrl.u32 v19, $0x1;
	v15 =	vsub.s32 $0x5F3759DF, v14  }
0x56: {  	s24 =	sadd.s32 $0x10, s10;
	s26 =	sand.u32 $0x7, s26;
	v1 =	vsub.f32 v2, v1;
	v2 =	vadd.f32 v9, v8;
	v8 =	vld [tilespmem:s23+$0x0];
	v9 =	vmul.f32 v15, v10  }
0x57: {  	s26 =	sshll.u32 s26, $0x4;
	v19 =	vmul.f32 $5.000000000e-01, v19;
	v3 =	vmul.f32 v3, v3;
	v14 =	vld [tilespmem:s24+$0x0];
	v16 =	vadd.f32 v16, v7  }
0x58: {  	s25 =	sadd.s32 $0x10, s12;
	s26 =	sadd.s32 $0x80, s26;
	v7 =	vld [tilespmem:s0+$0xC280];
	v26 =	vsub.s32 $0x5F3759DF, v26;
	v1 =	vmul.f32 v1, v1;
	v9 =	vmul.f32 v15, v9  }
0x59: {  	s1 =	sor.u32 $0x380, s26;
	v20 =	vmul.f32 $5.000000000e-01, v32;
	v10 =	vld [tilespmem:s25+$0x0];
	v18 =	vshrl.u32 v17, $0x1;
	v13 =	vmul.f32 v26, v19  }
0x5a: {  	v17 =	vmul.f32 $5.000000000e-01, v17;
	v22 =	vadd.f32 v1, v3;
	v1 =	vsub.f32 $1.500000000e+00, v9;
	v9 =	vld [tilespmem:s1+$0xC000]  }
0x5b: {  	v11 =	vadd.f32 $9.999999740e-05, v2;
	v13 =	vmul.f32 v26, v13;
	v3 =	vsub.s32 $0x5F3759DF, v18;
	v29 =	vld.idx.msk [tilespmem:v21+s13+$0x0], $0xffff  }
0x5c: {  	vm0 =	vlt.f32 v2, $2.499999940e-03;
	v2 =	vmul.f32 v3, v17;
	v17 =	vadd.f32 $9.999999740e-05, v16;
	v31 =	vld.idx.msk [tilespmem:v21+s14+$0x0], $0xffff  }
0x5d: {  	v60 =	vmul.f32 v4, v4;
	v13 =	vsub.f32 $1.500000000e+00, v13;
	v21 =	vld.idx.msk [tilespmem:v21+s2+$0x0], $0xffff;
	v1 =	vmul.f32 v15, v1  }
0x5e: {  	v2 =	vmul.f32 v3, v2;
	v15 =	vld [tilespmem:s0+$0xC200];
	v18 =	vshrl.u32 v17, $0x1;
	v17 =	vmul.f32 $5.000000000e-01, v17  }
0x5f: {  	v19 =	vshrl.u32 v28, $0x1;
	v13 =	vmul.f32 v26, v13;
	v54 =	vld.idx.msk [tilespmem:v6+s14+$0x0], $0xffff;
	v18 =	vsub.s32 $0x5F3759DF, v18  }
0x60: {  	v26 =	vsub.s32 $0x5F3759DF, v52;
	v35 =	vld.idx.msk [tilespmem:v6+s2+$0x0], $0xffff;
	v2 =	vsub.f32 $1.500000000e+00, v2;
	v17 =	vmul.f32 v18, v17  }
0x61: {  	v28 =	vmul.f32 $5.000000000e-01, v28;
	v19 =	vsub.s32 $0x5F3759DF, v19;
	v57 =	vld.idx.msk [tilespmem:v6+s13+$0x0], $0xffff;
	v20 =	vmul.f32 v26, v20  }
0x62: {  	v23 =	vshrl.u32 v11, $0x1;
	v53 =	vld.idx.msk [tilespmem:v7+s2+$0x0], $0xffff;
	v2 =	vmul.f32 v3, v2;
	v3 =	vmul.f32 v18, v17  }
0x63: {  	v11 =	vmul.f32 $5.000000000e-01, v11;
	v62 =	vsub.f32 v36, v8;
	v22 =	vadd.f32 v60, v22;
	v0 =	vld.idx.msk [tilespmem:v7+s13+$0x0], $0xffff  }
0x64: {  	v1 =	vnsel vm2, $0x0, v1;
	v20 =	vmul.f32 v26, v20;
	v17 =	vld.idx.msk [tilespmem:v7+s14+$0x0], $0xffff;
	v3 =	vsub.f32 $1.500000000e+00, v3  }
0x65: {  	vm2 =	vmmov vm0;
	vm0 =	vlt.f32 v5, $2.499999940e-03;
	v31 =	vsub.f32 v31, v8;
	v33 =	vld.idx.msk [tilespmem:v9+s2+$0x0], $0xffff  }
0x66: {  	v20 =	vsub.f32 $1.500000000e+00, v20;
	v5 =	vld.idx.msk [tilespmem:v9+s13+$0x0], $0xffff;
	v3 =	vmul.f32 v18, v3;
	v18 =	vmul.f32 v19, v28  }
0x67: {  	v13 =	vnsel vm4, $0x0, v13;
	v30 =	vld.idx.msk [tilespmem:v9+s14+$0x0], $0xffff;
	v9 =	vsub.f32 v29, v10;
	v29 =	vsub.f32 v53, v14  }
0x68: {  	v0 =	vsub.f32 v0, v10;
	v6 =	vmul.f32 v26, v20;
	v20 =	vld.idx.msk [tilespmem:v27+s13+$0x0], $0xffff;
	v18 =	vmul.f32 v19, v18  }
0x69: {  	v26 =	vsub.f32 v56, v8;
	v9 =	vmul.f32 v9, v9;
	v55 =	vld.idx.msk [tilespmem:v15+s14+$0x0], $0xffff;
	v28 =	vsub.f32 v54, v8  }
0x6a: {  	v29 =	vmul.f32 v29, v29;
	v17 =	vsub.f32 v17, v8;
	v18 =	vsub.f32 $1.500000000e+00, v18  }
0x6b: {  	v58 =	vmul.f32 v0, v0;
	v33 =	vsub.f32 v33, v14;
	v5 =	vsub.f32 v5, v10  }
0x6c: {  	v30 =	vsub.f32 v30, v8;
	v7 =	vmul.f32 v19, v18;
	v18 =	vld.idx.msk [tilespmem:v15+s13+$0x0], $0xffff;
	v19 =	vsub.f32 v21, v14  }
0x6d: {  	v17 =	vmul.f32 v17, v17;
	v20 =	vsub.f32 v20, v10;
	v34 =	vmul.f32 v5, v5;
	v15 =	vld.idx.msk [tilespmem:v15+s2+$0x0], $0xffff  }
0x6e: {  	v59 =	vld.idx.msk [tilespmem:v24+s2+$0x0], $0xffff;
	v32 =	vsub.f32 v55, v8;
	v21 =	vmul.f32 v33, v33;
	v19 =	vmul.f32 v19, v19  }
0x6f: {  	v7 =	vnsel vm3, $0x0, v7;
	vm3 =	vlt.f32 v16, $2.499999940e-03;
	v16 =	vld.idx.msk [tilespmem:v27+s2+$0x0], $0xffff;
	v27 =	vadd.f32 v58, v29  }
0x70: {  	v31 =	vmul.f32 v31, v31;
	v19 =	vadd.f32 v9, v19;
	v9 =	vadd.f32 v34, v21;
	v21 =	vld.idx.msk [tilespmem:v24+s14+$0x0], $0xffff  }
0x71: {  	v5 =	vmul.f32 v30, v30;
	v30 =	vsub.f32 v57, v10;
	v4 =	vadd.f32 v17, v27  }
0x72: {  	v61 =	vld.idx.msk [tilespmem:v25+s13+$0x0], $0xffff;
	v20 =	vmul.f32 v20, v20;
	v18 =	vsub.f32 v18, v10;
	v15 =	vsub.f32 v15, v14  }
0x73: {  	v17 =	vld.idx.msk [tilespmem:v25+s2+$0x0], $0xffff;
	v25 =	vmul.f32 v30, v30;
	v0 =	vadd.f32 v31, v19;
	v19 =	vsub.f32 v35, v14  }
0x74: {  	v27 =	vsub.f32 v59, v14;
	v15 =	vmul.f32 v15, v15;
	v18 =	vmul.f32 v18, v18  }
0x75: {  	v19 =	vmul.f32 v19, v19;
	v8 =	vsub.f32 v21, v8;
	v21 =	vadd.f32 $9.999999740e-05, v22  }
0x76: {  	v18 =	vadd.f32 v18, v15;
	v15 =	vsub.f32 v16, v14;
	v16 =	vmul.f32 v28, v28  }
0x77: {  	v24 =	vld.idx.msk [tilespmem:v24+s13+$0x0], $0xffff;
	v19 =	vadd.f32 v25, v19;
	v63 =	vshrl.u32 v21, $0x1;
	v21 =	vmul.f32 $5.000000000e-01, v21  }
0x78: {  	v14 =	vsub.f32 v17, v14;
	v25 =	vsub.f32 v61, v10;
	v28 =	vsub.s32 $0x5F3759DF, v63  }
0x79: {  	v15 =	vmul.f32 v15, v15;
	v19 =	vadd.f32 v16, v19;
	v16 =	vmul.f32 v28, v21  }
0x7a: {  	vm4 =	vlt.f32 v22, $2.499999940e-03;
	v14 =	vmul.f32 v14, v14;
	v17 =	vmul.f32 v25, v25  }
0x7b: {  	v20 =	vadd.f32 v20, v15;
	v21 =	vmul.f32 v26, v26;
	v16 =	vmul.f32 v28, v16  }
0x7c: {  	v10 =	vsub.f32 v24, v10;
	v14 =	vadd.f32 v17, v14;
	v17 =	vmul.f32 v62, v62  }
0x7d: {  	v15 =	vsub.s32 $0x5F3759DF, v23;
	v20 =	vadd.f32 v21, v20;
	v16 =	vsub.f32 $1.500000000e+00, v16  }
0x7e: {  	v22 =	vmul.f32 v10, v10;
	v11 =	vmul.f32 v15, v11;
	v17 =	vadd.f32 v17, v14  }
0x7f: {  	v21 =	vmul.f32 v32, v32;
	v23 =	vadd.f32 $9.999999740e-05, v20;
	v14 =	vmul.f32 v28, v16  }
0x80: {  	v11 =	vmul.f32 v15, v11;
	v10 =	vadd.f32 $9.999999740e-05, v17;
	v16 =	vmul.f32 v27, v27  }
0x81: {  	v24 =	vshrl.u32 v23, $0x1;
	v23 =	vmul.f32 $5.000000000e-01, v23;
	v25 =	vnsel vm4, $0x0, v14  }
0x82: {  	s29 =	simm.s32 $0x100;
	s30 =	simm.s32 $0x2;
	s28 =	sadd.s32 $0x10, s24;
	v14 =	vadd.f32 v22, v16;
	v22 =	vsub.s32 $0x5F3759DF, v24;
	v24 =	vsub.f32 $1.500000000e+00, v11  }
0x83: {  	s31 =	sadd.s32 $0x10, s25;
	s26 =	sadd.s32 $0x10, s23;
	s0 =	simm.s32 $0x20;
	v11 =	vshrl.u32 v10, $0x1;
	v23 =	vmul.f32 v22, v23;
	v16 =	vadd.f32 v25, v12  }
.LBB2_2:
0x84: {  	s1 =	sand.u32 $0x7, s30  }
0x85: {  	s15 =	sand.u32 $0x7C00, s29;
	s16 =	sand.u32 $0x70, s0;
	v12 =	vld [tilespmem:s31+$0x0];
	vm4 =	vlt.f32 v17, $2.499999940e-03;
	v25 =	vadd.f32 $9.999999740e-05, v19;
	v24 =	vmul.f32 v15, v24;
	s20 =	smov.u32 s0  }
0x86: {  	v2 =	vnsel vm1, $0x0, v2;
	s20 =	sshll.u32 s1, $0x4;
	v17 =	vld [tilespmem:s26+$0x0];
	s15 =	sor.u32 s16, s15;
	s1 =	sadd.s32 $0x10, s0;
	v23 =	vmul.f32 v22, v23;
	v1 =	vadd.f32 v1, v16  }
0x87: {  	p0 =	sne.s32 s0, $0xFF0;
	s16 =	sadd.s32 s20, s29;
	v15 =	vld [tilespmem:s28+$0x0];
	v16 =	vshrl.u32 v25, $0x1;
	v25 =	vmul.f32 $5.000000000e-01, v25;
	v24 =	vnsel vm2, $0x0, v24  }
0x88: {  	v26 =	vld [tilespmem:s15+$0xC300];
	s0 =	sor.u32 $0x380, s16;
	v23 =	vsub.f32 $1.500000000e+00, v23;
	v16 =	vsub.s32 $0x5F3759DF, v16;
	v1 =	vadd.f32 v24, v1  }
0x89: {  	vm1 =	vlt.f32 v19, $2.499999940e-03;
	v18 =	vadd.f32 v21, v18;
	v24 =	vld [tilespmem:s15+$0xC280];
	v19 =	vmul.f32 v16, v25  }
0x8a: {  	v3 =	vnsel vm3, $0x0, v3;
	v21 =	vld [tilespmem:s0+$0xC000];
	v22 =	vmul.f32 v22, v23;
	v2 =	vadd.f32 v2, v1  }
0x8b: {  	vm2 =	vlt.f32 v20, $2.499999940e-03;
	v25 =	vadd.f32 $9.999999740e-05, v18;
	v23 =	vld [tilespmem:s15+$0xC180];
	v20 =	vmul.f32 v16, v19  }
0x8c: {  	v27 =	vld [tilespmem:s15+$0xC200];
	v1 =	vnsel vm2, $0x0, v22;
	v22 =	vadd.f32 $9.999999740e-05, v4;
	v2 =	vadd.f32 v3, v2  }
0x8d: {  	v19 =	vld [tilespmem:s15+$0xC000];
	v3 =	vsub.f32 $1.500000000e+00, v20;
	v20 =	vshrl.u32 v25, $0x1;
	v25 =	vmul.f32 $5.000000000e-01, v25  }
0x8e: {  	v28 =	vld [tilespmem:s15+$0xC100];
	v20 =	vsub.s32 $0x5F3759DF, v20;
	v29 =	vshrl.u32 v22, $0x1;
	v13 =	vadd.f32 v13, v2  }
0x8f: {  	v30 =	vld [tilespmem:s15+$0xC080];
	v2 =	vmul.f32 v16, v3;
	v3 =	vmul.f32 v20, v25;
	v25 =	vsub.s32 $0x5F3759DF, v29  }
0x90: {  	v16 =	vmul.f32 $5.000000000e-01, v22;
	v22 =	vadd.f32 $9.999999740e-05, v0;
	v29 =	vld.idx.msk [tilespmem:v26+s13+$0x0], $0xffff;
	v7 =	vadd.f32 v7, v13  }
0x91: {  	v5 =	vadd.f32 v5, v9;
	v6 =	vnsel vm0, $0x0, v6;
	v13 =	vld.idx.msk [tilespmem:v24+s14+$0x0], $0xffff;
	v3 =	vmul.f32 v20, v3  }
0x92: {  	v31 =	vmul.f32 v25, v16;
	v32 =	vshrl.u32 v22, $0x1;
	v9 =	vld.idx.msk [tilespmem:v21+s14+$0x0], $0xffff;
	v16 =	vadd.f32 v6, v7  }
0x93: {  	v22 =	vmul.f32 $5.000000000e-01, v22;
	v7 =	vsub.s32 $0x5F3759DF, v32;
	v6 =	vld.idx.msk [tilespmem:v26+s14+$0x0], $0xffff;
	v3 =	vsub.f32 $1.500000000e+00, v3  }
0x94: {  	v33 =	vadd.f32 $9.999999740e-05, v5;
	vm2 =	vmmov vm4;
	v31 =	vmul.f32 v25, v31;
	v32 =	vld.idx.msk [tilespmem:v21+s2+$0x0], $0xffff  }
0x95: {  	vm0 =	vlt.f32 v5, $2.499999940e-03;
	v21 =	vld.idx.msk [tilespmem:v21+s13+$0x0], $0xffff;
	v3 =	vmul.f32 v20, v3;
	v20 =	vmul.f32 v7, v22  }
0x96: {  	v22 =	vsub.f32 v29, v12;
	v29 =	vshrl.u32 v33, $0x1;
	v5 =	vld.idx.msk [tilespmem:v26+s2+$0x0], $0xffff;
	v26 =	vsub.f32 $1.500000000e+00, v31  }
0x97: {  	vm4 =	vlt.f32 v4, $2.499999940e-03;
	v31 =	vld.idx.msk [tilespmem:v24+s2+$0x0], $0xffff;
	v4 =	vmul.f32 v7, v20;
	v20 =	vmul.f32 $5.000000000e-01, v33  }
0x98: {  	v22 =	vmul.f32 v22, v22;
	v33 =	vld.idx.msk [tilespmem:v23+s14+$0x0], $0xffff;
	v25 =	vmul.f32 v25, v26;
	v26 =	vsub.s32 $0x5F3759DF, v29  }
0x99: {  	v13 =	vsub.f32 v13, v17;
	v29 =	vld.idx.msk [tilespmem:v27+s14+$0x0], $0xffff;
	v4 =	vsub.f32 $1.500000000e+00, v4;
	v20 =	vmul.f32 v26, v20  }
0x9a: {  	vm3 =	vlt.f32 v0, $2.499999940e-03;
	v9 =	vsub.f32 v9, v17;
	v32 =	vsub.f32 v32, v15;
	v24 =	vld.idx.msk [tilespmem:v24+s13+$0x0], $0xffff  }
0x9b: {  	v34 =	vmul.f32 v13, v13;
	v13 =	vsub.f32 v21, v12;
	v0 =	vld.idx.msk [tilespmem:v27+s13+$0x0], $0xffff;
	v4 =	vmul.f32 v7, v4  }
0x9c: {  	v5 =	vsub.f32 v5, v15;
	v32 =	vmul.f32 v32, v32;
	v7 =	vmul.f32 v26, v20;
	v21 =	vld.idx.msk [tilespmem:v30+s14+$0x0], $0xffff  }
0x9d: {  	v6 =	vsub.f32 v6, v17;
	v13 =	vmul.f32 v13, v13;
	v20 =	vld.idx.msk [tilespmem:v27+s2+$0x0], $0xffff;
	v27 =	vsub.f32 v31, v15  }
0x9e: {  	v33 =	vsub.f32 v33, v17;
	v35 =	vmul.f32 v5, v5;
	v36 =	vsub.f32 $1.500000000e+00, v7;
	v31 =	vld.idx.msk [tilespmem:v23+s2+$0x0], $0xffff  }
0x9f: {  	v37 =	vmul.f32 v6, v6;
	v5 =	vmul.f32 v9, v9;
	v29 =	vsub.f32 v29, v17;
	v23 =	vld.idx.msk [tilespmem:v23+s13+$0x0], $0xffff  }
0xa0: {  	v7 =	vnsel vm3, $0x0, v4;
	v9 =	vsub.f32 v24, v12;
	v24 =	vmul.f32 v27, v27;
	v38 =	vld.idx.msk [tilespmem:v28+s14+$0x0], $0xffff  }
0xa1: {  	v6 =	vmul.f32 v26, v36;
	v4 =	vsub.f32 v0, v12;
	v0 =	vadd.f32 v22, v35;
	v27 =	vld.idx.msk [tilespmem:v30+s13+$0x0], $0xffff  }
0xa2: {  	v21 =	vsub.f32 v21, v17;
	v26 =	vmul.f32 v9, v9;
	v9 =	vadd.f32 v13, v32;
	v22 =	vld.idx.msk [tilespmem:v19+s14+$0x0], $0xffff  }
0xa3: {  	vm3 =	vlt.f32 v18, $2.499999940e-03;
	v20 =	vsub.f32 v20, v15;
	v0 =	vadd.f32 v37, v0;
	v30 =	vld.idx.msk [tilespmem:v30+s2+$0x0], $0xffff  }
0xa4: {  	v13 =	vnsel vm4, $0x0, v25;
	v18 =	vsub.f32 v31, v15;
	v24 =	vadd.f32 v26, v24;
	v32 =	vld.idx.msk [tilespmem:v19+s2+$0x0], $0xffff  }
0xa5: {  	v8 =	vmul.f32 v8, v8;
	v23 =	vsub.f32 v23, v12;
	v20 =	vmul.f32 v20, v20;
	v25 =	vld.idx.msk [tilespmem:v28+s13+$0x0], $0xffff  }
0xa6: {  	v31 =	vmul.f32 v4, v4;
	v4 =	vadd.f32 v34, v24;
	v26 =	vld.idx.msk [tilespmem:v28+s2+$0x0], $0xffff;
	v28 =	vsub.f32 v38, v17  }
0xa7: {  	v14 =	vadd.f32 v8, v14;
	v24 =	vsub.f32 v27, v12;
	v23 =	vmul.f32 v23, v23  }
0xa8: {  	v8 =	vsub.f32 v22, v17;
	v17 =	vmul.f32 v18, v18;
	v18 =	vadd.f32 v31, v20  }
0xa9: {  	v27 =	vadd.f32 $9.999999740e-05, v14;
	v22 =	vmul.f32 v33, v33;
	v20 =	vsub.f32 v30, v15  }
0xaa: {  	v24 =	vmul.f32 v24, v24;
	v30 =	vsub.f32 v32, v15;
	v17 =	vadd.f32 v23, v17  }
0xab: {  	v23 =	vld.idx.msk [tilespmem:v19+s13+$0x0], $0xffff;
	v19 =	vsub.f32 v25, v12;
	v25 =	vshrl.u32 v27, $0x1;
	v27 =	vmul.f32 $5.000000000e-01, v27  }
0xac: {  	v20 =	vmul.f32 v20, v20;
	v15 =	vsub.f32 v26, v15;
	v25 =	vsub.s32 $0x5F3759DF, v25  }
0xad: {  	v26 =	vmul.f32 v19, v19;
	v19 =	vadd.f32 v22, v17;
	v17 =	vmul.f32 v25, v27  }
0xae: {  	v21 =	vmul.f32 v21, v21;
	v20 =	vadd.f32 v24, v20;
	v22 =	vmul.f32 v15, v15  }
0xaf: {  	v10 =	vmul.f32 $5.000000000e-01, v10;
	v15 =	vsub.s32 $0x5F3759DF, v11;
	v17 =	vmul.f32 v25, v17  }
0xb0: {  	v20 =	vadd.f32 v21, v20;
	v21 =	vmul.f32 v28, v28;
	v11 =	vadd.f32 v26, v22  }
0xb1: {  	v10 =	vmul.f32 v15, v10;
	v12 =	vsub.f32 v23, v12;
	v22 =	vsub.f32 $1.500000000e+00, v17  }
0xb2: {  	v23 =	vadd.f32 $9.999999740e-05, v20;
	v17 =	vadd.f32 v21, v11;
	v21 =	vmul.f32 v29, v29  }
.Ltmp0:
0xb3: {  	vm4 =	vlt.f32 v14, $2.499999940e-03;
	v24 =	vmul.f32 v15, v10;
	v11 =	vmul.f32 v25, v22;
	(pc) =	sbr.rel @p0 .LBB2_2-.Ltmp0, $4  }
0xb4: {  	v14 =	vmul.f32 v30, v30;
	v12 =	vmul.f32 v12, v12;
	v22 =	vshrl.u32 v23, $0x1  }
0xb5: {  	v23 =	vmul.f32 $5.000000000e-01, v23;
	v10 =	vadd.f32 $9.999999740e-05, v17;
	v25 =	vnsel vm4, $0x0, v11  }
0xb6: {  	s30 =	sadd.s32 $0x1, s30;
	s26 =	sadd.s32 $0x10, s26;
	s28 =	sadd.s32 $0x10, s28;
	v24 =	vsub.f32 $1.500000000e+00, v24;
	v14 =	vadd.f32 v12, v14;
	v22 =	vsub.s32 $0x5F3759DF, v22  }
0xb7: {  	s31 =	sadd.s32 $0x10, s31;
	s29 =	sadd.s32 $0x80, s29;
	s0 =	smov.u32 s1;
	v23 =	vmul.f32 v22, v23;
	v11 =	vshrl.u32 v10, $0x1;
	v16 =	vadd.f32 v25, v16  }
0xb8: {  	v12 =	vadd.f32 $9.999999740e-05, v19;
	vm4 =	vlt.f32 v17, $2.499999940e-03;
	v15 =	vmul.f32 v15, v24  }
0xb9: {  	v2 =	vnsel vm1, $0x0, v2;
	v8 =	vmul.f32 v8, v8;
	vm12 =	vlt.f32 v19, $2.499999940e-03  }
0xba: {  	v3 =	vnsel vm3, $0x0, v3;
	vm13 =	vlt.f32 v20, $2.499999940e-03;
	v10 =	vmul.f32 $5.000000000e-01, v10  }
0xbb: {  	v11 =	vsub.s32 $0x5F3759DF, v11;
	v17 =	vmul.f32 v22, v23;
	v1 =	vadd.f32 v1, v16  }
0xbc: {  	v23 =	vadd.f32 $9.999999740e-05, v0;
	v16 =	vshrl.u32 v12, $0x1;
	v15 =	vnsel vm2, $0x0, v15  }
0xbd: {  	v12 =	vmul.f32 $5.000000000e-01, v12;
	v10 =	vmul.f32 v11, v10;
	v1 =	vadd.f32 v15, v1  }
0xbe: {  	v17 =	vsub.f32 $1.500000000e+00, v17;
	v16 =	vsub.s32 $0x5F3759DF, v16;
	v15 =	vadd.f32 v21, v18  }
0xbf: {  	v12 =	vmul.f32 v16, v12;
	v1 =	vadd.f32 v2, v1;
	v2 =	vadd.f32 v8, v14  }
0xc0: {  	_ =	swait.ge [sflag:s19], $0x8000;
	s0 =	simm.s32 $0x0;
	v25 =	vshrl.u32 v23, $0x1;
	v17 =	vmul.f32 v22, v17;
	v14 =	vadd.f32 $9.999999740e-05, v4  }
0xc1: {  	[sflag:s19] =	ssyncset.done $0x0;
	s1 =	sand.u32 $0x7C00, s0;
	s0 =	sand.u32 $0x70, s0;
	v8 =	vmul.f32 v16, v12;
	v12 =	vadd.f32 $9.999999740e-05, v15;
	v18 =	vadd.f32 $9.999999740e-05, v2  }
0xc2: {  	[sflag:s19] =	ssyncadd.s32 $0xFFFF8000;
	s0 =	sor.u32 s0, s1;
	v19 =	vadd.f32 v3, v1;
	v22 =	vshrl.u32 v14, $0x1;
	vm14 =	vlt.f32 v2, $2.499999940e-03  }
0xc3: {  	v24 =	vld [tilespmem:s0+$0x14200];
	v1 =	vsub.f32 $1.500000000e+00, v8;
	v8 =	vshrl.u32 v18, $0x1;
	v18 =	vmul.f32 $5.000000000e-01, v18  }
0xc4: {  	v2 =	vsub.s32 $0x5F3759DF, v25;
	v25 =	vld [tilespmem:s0+$0x14000];
	v3 =	vshrl.u32 v12, $0x1;
	v21 =	vsub.s32 $0x5F3759DF, v8  }
0xc5: {  	v14 =	vmul.f32 $5.000000000e-01, v14;
	v20 =	vsub.s32 $0x5F3759DF, v3;
	v3 =	vld [tilespmem:s10+$0x0];
	v18 =	vmul.f32 v21, v18  }
0xc6: {  	v12 =	vmul.f32 $5.000000000e-01, v12;
	v13 =	vadd.f32 v13, v19;
	v19 =	vsub.s32 $0x5F3759DF, v22;
	v22 =	vld [tilespmem:s0+$0x14380]  }
0xc7: {  	v5 =	vadd.f32 v5, v9;
	v9 =	vmul.f32 v19, v14;
	v14 =	vld [tilespmem:s0+$0x14280];
	v18 =	vmul.f32 v21, v18  }
0xc8: {  	v12 =	vmul.f32 v20, v12;
	v7 =	vadd.f32 v7, v13;
	v13 =	vld [tilespmem:s0+$0x14300]  }
0xc9: {  	v10 =	vmul.f32 v11, v10;
	v16 =	vmul.f32 v16, v1;
	v1 =	vld [tilespmem:s12+$0x0];
	v18 =	vsub.f32 $1.500000000e+00, v18  }
0xca: {  	v8 =	vld [tilespmem:s11+$0x0];
	v12 =	vmul.f32 v20, v12  }
0xcb: {  	v6 =	vnsel vm0, $0x0, v6;
	v10 =	vsub.f32 $1.500000000e+00, v10;
	v27 =	vld.idx.msk [tilespmem:v24+s14+$0x0], $0xffff;
	v18 =	vmul.f32 v21, v18  }
0xcc: {  	v6 =	vadd.f32 v6, v7;
	v7 =	vsub.f32 $1.500000000e+00, v12;
	v12 =	vld [tilespmem:s0+$0x14080]  }
0xcd: {  	vm15 =	vmmov vm4;
	v21 =	vld [tilespmem:s0+$0x14100];
	v18 =	vnsel vm14, $0x0, v18  }
0xce: {  	v26 =	vadd.f32 $9.999999740e-05, v5;
	v10 =	vmul.f32 v11, v10;
	v11 =	vld.idx.msk [tilespmem:v22+s14+$0x0], $0xffff;
	v6 =	vadd.f32 v18, v6  }
0xcf: {  	vm7 =	vlt.f32 v5, $2.499999940e-03;
	v23 =	vmul.f32 $5.000000000e-01, v23;
	v17 =	vnsel vm13, $0x0, v17;
	v5 =	vld.idx.msk [tilespmem:v14+s2+$0x0], $0xffff  }
0xd0: {  	vm4 =	vlt.f32 v15, $2.499999940e-03;
	v9 =	vmul.f32 v19, v9;
	v15 =	vld.idx.msk [tilespmem:v13+s13+$0x0], $0xffff;
	v6 =	vadd.f32 v17, v6  }
0xd1: {  	v10 =	vnsel vm15, $0x0, v10;
	v7 =	vmul.f32 v20, v7;
	v20 =	vmul.f32 v2, v23;
	v18 =	vld [tilespmem:s0+$0x14180]  }
0xd2: {  	v23 =	vshrl.u32 v26, $0x1;
	v26 =	vmul.f32 $5.000000000e-01, v26;
	v17 =	vld.idx.msk [tilespmem:v22+s2+$0x0], $0xffff;
	v6 =	vadd.f32 v10, v6  }
0xd3: {  	v16 =	vnsel vm12, $0x0, v16;
	v23 =	vsub.s32 $0x5F3759DF, v23;
	v20 =	vmul.f32 v2, v20;
	v22 =	vld.idx.msk [tilespmem:v22+s13+$0x0], $0xffff  }
0xd4: {  	v9 =	vsub.f32 $1.500000000e+00, v9;
	v26 =	vmul.f32 v23, v26;
	v10 =	vld.idx.msk [tilespmem:v13+s14+$0x0], $0xffff;
	v6 =	vadd.f32 v16, v6  }
0xd5: {  	vm5 =	vlt.f32 v4, $2.499999940e-03;
	v7 =	vnsel vm4, $0x0, v7;
	v16 =	vsub.f32 $1.500000000e+00, v20;
	v20 =	vld.idx.msk [tilespmem:v14+s14+$0x0], $0xffff  }
0xd6: {  	v9 =	vmul.f32 v19, v9;
	v19 =	vmul.f32 v23, v26;
	v4 =	vadd.f32 v7, v6;
	v6 =	vld.idx.msk [tilespmem:v13+s2+$0x0], $0xffff  }
0xd7: {  	vm6 =	vlt.f32 v0, $2.499999940e-03;
	v5 =	vsub.f32 v5, v3;
	v15 =	vsub.f32 v15, v1;
	v13 =	vld.idx.msk [tilespmem:v14+s13+$0x0], $0xffff  }
0xd8: {  	s30 =	simm.s32 $0x10;
	s31 =	simm.s32 $0x80;
	v9 =	vnsel vm5, $0x0, v9;
	v7 =	vsub.f32 $1.500000000e+00, v19;
	v14 =	vsub.f32 v22, v1;
	v22 =	vld.idx.msk [tilespmem:v21+s2+$0x0], $0xffff  }
0xd9: {  	s1 =	sand.u32 $0x7C00, s31;
	s0 =	sand.u32 $0x70, s30;
	v5 =	vmul.f32 v5, v5;
	v2 =	vmul.f32 v2, v16;
	v0 =	vadd.f32 v9, v4;
	v4 =	vld.idx.msk [tilespmem:v24+s2+$0x0], $0xffff  }
0xda: {  	s0 =	sor.u32 s0, s1;
	v15 =	vmul.f32 v15, v15;
	v19 =	vsub.f32 v27, v8;
	v7 =	vmul.f32 v23, v7;
	v9 =	vld.idx.msk [tilespmem:v18+s2+$0x0], $0xffff  }
0xdb: {  	v26 =	vld [tilespmem:s0+$0x14100];
	v10 =	vsub.f32 v10, v8;
	v2 =	vnsel vm6, $0x0, v2;
	v20 =	vsub.f32 v20, v8  }
0xdc: {  	v0 =	vadd.f32 v2, v0;
	v2 =	vnsel vm7, $0x0, v7;
	v7 =	vsub.f32 v17, v3;
	v17 =	vld.idx.msk [tilespmem:v21+s14+$0x0], $0xffff  }
0xdd: {  	v16 =	vld.idx.msk [tilespmem:v24+s13+$0x0], $0xffff;
	v14 =	vmul.f32 v14, v14;
	v6 =	vsub.f32 v6, v3;
	v22 =	vsub.f32 v22, v3  }
0xde: {  	v2 =	vadd.f32 v2, v0;
	v0 =	vsub.f32 v11, v8;
	v11 =	vld.idx.msk [tilespmem:v18+s14+$0x0], $0xffff;
	v7 =	vmul.f32 v7, v7  }
0xdf: {  	v4 =	vsub.f32 v4, v3;
	v6 =	vmul.f32 v6, v6;
	v23 =	vsub.f32 v9, v3;
	v9 =	vld.idx.msk [tilespmem:v12+s14+$0x0], $0xffff  }
0xe0: {  	v0 =	vmul.f32 v0, v0;
	v7 =	vadd.f32 v14, v7;
	v14 =	vld.idx.msk [tilespmem:v21+s13+$0x0], $0xffff;
	v21 =	vmul.f32 v10, v10  }
0xe1: {  	v10 =	vsub.f32 v13, v1;
	v13 =	vld.idx.msk [tilespmem:v12+s13+$0x0], $0xffff;
	v24 =	vmul.f32 v4, v4;
	v4 =	vsub.f32 v17, v8  }
0xe2: {  	v22 =	vmul.f32 v22, v22;
	v17 =	vld.idx.msk [tilespmem:v25+s2+$0x0], $0xffff;
	v6 =	vadd.f32 v15, v6;
	v0 =	vadd.f32 v0, v7  }
0xe3: {  	v7 =	vld.idx.msk [tilespmem:v12+s2+$0x0], $0xffff;
	v12 =	vsub.f32 v16, v1;
	v16 =	vmul.f32 v19, v19;
	v19 =	vmul.f32 v10, v10  }
0xe4: {  	v10 =	vld.idx.msk [tilespmem:v25+s13+$0x0], $0xffff;
	v11 =	vsub.f32 v11, v8;
	v4 =	vmul.f32 v4, v4;
	v6 =	vadd.f32 v21, v6  }
0xe5: {  	v25 =	vld.idx.msk [tilespmem:v25+s14+$0x0], $0xffff;
	v12 =	vmul.f32 v12, v12;
	v9 =	vsub.f32 v9, v8;
	v5 =	vadd.f32 v19, v5  }
0xe6: {  	v18 =	vld.idx.msk [tilespmem:v18+s13+$0x0], $0xffff;
	v19 =	vmul.f32 v20, v20;
	vm9 =	vlt.f32 v0, $2.499999940e-03;
	v14 =	vsub.f32 v14, v1  }
0xe7: {  	v13 =	vsub.f32 v13, v1;
	v28 =	vadd.f32 $9.999999740e-05, v6;
	vm10 =	vlt.f32 v6, $2.499999940e-03  }
0xe8: {  	v21 =	vld [tilespmem:s0+$0x14080];
	v9 =	vmul.f32 v9, v9;
	v19 =	vadd.f32 v19, v5;
	v7 =	vsub.f32 v7, v3  }
0xe9: {  	v14 =	vmul.f32 v14, v14;
	v10 =	vsub.f32 v10, v1;
	v13 =	vmul.f32 v13, v13  }
0xea: {  	v3 =	vsub.f32 v17, v3;
	v8 =	vsub.f32 v25, v8;
	v7 =	vmul.f32 v7, v7  }
0xeb: {  	v1 =	vsub.f32 v18, v1;
	v32 =	vmul.f32 $5.000000000e-01, v28;
	v14 =	vadd.f32 v14, v22  }
0xec: {  	v29 =	vld [tilespmem:s0+$0x14180];
	v28 =	vshrl.u32 v28, $0x1;
	vm11 =	vlt.f32 v19, $2.499999940e-03;
	v7 =	vadd.f32 v13, v7  }
0xed: {  	v55 =	vld.idx.msk [tilespmem:v26+s14+$0x0], $0xffff;
	v10 =	vmul.f32 v10, v10;
	v13 =	vmul.f32 v3, v3;
	v3 =	vadd.f32 v4, v14  }
0xee: {  	v57 =	vld.idx.msk [tilespmem:v26+s2+$0x0], $0xffff;
	v14 =	vmul.f32 v11, v11;
	v11 =	vadd.f32 v12, v24;
	v4 =	vadd.f32 v9, v7  }
0xef: {  	v26 =	vld.idx.msk [tilespmem:v26+s13+$0x0], $0xffff;
	v8 =	vmul.f32 v8, v8;
	v7 =	vadd.f32 v10, v13;
	v10 =	vadd.f32 $9.999999740e-05, v3  }
0xf0: {  	v1 =	vmul.f32 v1, v1;
	v61 =	vld.idx.msk [tilespmem:v21+s13+$0x0], $0xffff;
	v17 =	vadd.f32 v16, v11;
	v12 =	vadd.f32 $9.999999740e-05, v4  }
0xf1: {  	v11 =	vld [tilespmem:s25+$0x0];
	vm14 =	vlt.f32 v3, $2.499999940e-03;
	v9 =	vadd.f32 v8, v7;
	v7 =	vmul.f32 v23, v23  }
0xf2: {  	v8 =	vshrl.u32 v10, $0x1;
	v13 =	vshrl.u32 v12, $0x1;
	v12 =	vmul.f32 $5.000000000e-01, v12  }
0xf3: {  	v25 =	vld [tilespmem:s0+$0x14200];
	v10 =	vmul.f32 $5.000000000e-01, v10;
	vm12 =	vlt.f32 v17, $2.499999940e-03;
	v13 =	vsub.s32 $0x5F3759DF, v13  }
0xf4: {  	v8 =	vsub.s32 $0x5F3759DF, v8;
	v18 =	vadd.f32 $9.999999740e-05, v9;
	v12 =	vmul.f32 v13, v12  }
0xf5: {  	v27 =	vld [tilespmem:s0+$0x14000];
	v15 =	vmul.f32 v8, v10;
	v1 =	vadd.f32 v1, v7;
	vm15 =	vlt.f32 v9, $2.499999940e-03  }
0xf6: {  	v38 =	vld.idx.msk [tilespmem:v29+s2+$0x0], $0xffff;
	v26 =	vsub.f32 v26, v11;
	v9 =	vsub.f32 v61, v11;
	v7 =	vmul.f32 v13, v12  }
0xf7: {  	v24 =	vld [tilespmem:s0+$0x14300];
	vm13 =	vlt.f32 v4, $2.499999940e-03;
	v1 =	vadd.f32 v14, v1;
	v14 =	vadd.f32 $9.999999740e-05, v17  }
0xf8: {  	v16 =	vld [tilespmem:s0+$0x14380];
	v22 =	vshrl.u32 v18, $0x1;
	v12 =	vmul.f32 v8, v15;
	v7 =	vsub.f32 $1.500000000e+00, v7  }
0xf9: {  	v53 =	vld.idx.msk [tilespmem:v29+s14+$0x0], $0xffff;
	vm8 =	vlt.f32 v1, $2.499999940e-03;
	v1 =	vadd.f32 $9.999999740e-05, v1;
	v20 =	vshrl.u32 v14, $0x1  }
0xfa: {  	v29 =	vld.idx.msk [tilespmem:v29+s13+$0x0], $0xffff;
	v12 =	vsub.f32 $1.500000000e+00, v12;
	v15 =	vmul.f32 v13, v7;
	v13 =	vmul.f32 $5.000000000e-01, v14  }
0xfb: {  	v52 =	vld.idx.msk [tilespmem:v25+s2+$0x0], $0xffff;
	v7 =	vsub.s32 $0x5F3759DF, v20;
	v20 =	vshrl.u32 v1, $0x1;
	v1 =	vmul.f32 $5.000000000e-01, v1  }
0xfc: {  	v10 =	vld [tilespmem:s24+$0x0];
	v23 =	vmul.f32 $5.000000000e-01, v18;
	v5 =	vsub.s32 $0x5F3759DF, v20;
	v13 =	vmul.f32 v7, v13  }
0xfd: {  	v18 =	vld [tilespmem:s23+$0x0];
	v20 =	vmul.f32 v8, v12;
	v8 =	vadd.f32 $9.999999740e-05, v19;
	v1 =	vmul.f32 v5, v1  }
0xfe: {  	v60 =	vsub.s32 $0x5F3759DF, v22;
	v9 =	vmul.f32 v9, v9;
	v14 =	vld [tilespmem:s0+$0x14280];
	v13 =	vmul.f32 v7, v13  }
0xff: {  	v50 =	vld.idx.msk [tilespmem:v24+s14+$0x0], $0xffff;
	v30 =	vshrl.u32 v8, $0x1;
	v8 =	vmul.f32 $5.000000000e-01, v8;
	v1 =	vmul.f32 v5, v1  }
0x100: {  	v33 =	vld.idx.msk [tilespmem:v16+s2+$0x0], $0xffff;
	v12 =	vadd.f32 $9.999999740e-05, v0;
	v30 =	vsub.s32 $0x5F3759DF, v30;
	v13 =	vsub.f32 $1.500000000e+00, v13  }
0x101: {  	v31 =	vld.idx.msk [tilespmem:v16+s14+$0x0], $0xffff;
	v62 =	vmul.f32 v60, v23;
	v8 =	vmul.f32 v30, v8;
	v1 =	vsub.f32 $1.500000000e+00, v1  }
0x102: {  	v22 =	vsub.f32 v29, v11;
	v16 =	vld.idx.msk [tilespmem:v16+s13+$0x0], $0xffff;
	v34 =	vmul.f32 v7, v13;
	v13 =	vmul.f32 $5.000000000e-01, v12  }
0x103: {  	v1 =	vmul.f32 v5, v1;
	v5 =	vmul.f32 v30, v8;
	v8 =	vshrl.u32 v12, $0x1;
	v12 =	vld.idx.msk [tilespmem:v25+s14+$0x0], $0xffff  }
0x104: {  	v56 =	vsub.f32 v38, v10;
	v7 =	vsub.s32 $0x5F3759DF, v28;
	v0 =	vsub.s32 $0x5F3759DF, v8;
	v8 =	vld.idx.msk [tilespmem:v24+s13+$0x0], $0xffff  }
0x105: {  	v63 =	vsub.f32 v57, v10;
	v33 =	vsub.f32 v33, v10;
	v32 =	vmul.f32 v7, v32;
	v24 =	vld.idx.msk [tilespmem:v24+s2+$0x0], $0xffff  }
0x106: {  	v35 =	vnsel vm8, $0x0, v1;
	v1 =	vsub.f32 $1.500000000e+00, v5;
	v5 =	vmul.f32 v0, v13;
	v13 =	vld.idx.msk [tilespmem:v14+s14+$0x0], $0xffff  }
0x107: {  	v16 =	vsub.f32 v16, v11;
	v51 =	vmul.f32 v33, v33;
	v25 =	vld.idx.msk [tilespmem:v25+s13+$0x0], $0xffff;
	v32 =	vmul.f32 v7, v32  }
0x108: {  	v31 =	vsub.f32 v31, v18;
	v30 =	vmul.f32 v30, v1;
	v1 =	vmul.f32 v0, v5  }
0x109: {  	v59 =	vld.idx.msk [tilespmem:v21+s14+$0x0], $0xffff;
	v16 =	vmul.f32 v16, v16;
	v5 =	vsub.f32 v50, v18;
	v32 =	vsub.f32 $1.500000000e+00, v32  }
0x10a: {  	v21 =	vld.idx.msk [tilespmem:v21+s2+$0x0], $0xffff;
	v31 =	vmul.f32 v31, v31;
	v37 =	vsub.f32 $1.500000000e+00, v1;
	v24 =	vsub.f32 v24, v10  }
0x10b: {  	v1 =	vmul.f32 v5, v5;
	v5 =	vsub.f32 v13, v18;
	v13 =	vadd.f32 v16, v51  }
0x10c: {  	v17 =	vld.idx.msk [tilespmem:v27+s13+$0x0], $0xffff;
	v25 =	vsub.f32 v25, v11;
	v8 =	vsub.f32 v8, v11;
	v16 =	vmul.f32 v0, v37  }
0x10d: {  	v36 =	vld.idx.msk [tilespmem:v14+s13+$0x0], $0xffff;
	v6 =	vmul.f32 v7, v32;
	v0 =	vadd.f32 v31, v13;
	v13 =	vmul.f32 v24, v24  }
0x10e: {  	v14 =	vld.idx.msk [tilespmem:v14+s2+$0x0], $0xffff;
	v24 =	vmul.f32 v8, v8;
	v7 =	vnsel vm9, $0x0, v16;
	v16 =	vsub.f32 v52, v10  }
0x10f: {  	v21 =	vsub.f32 v21, v10;
	v3 =	vsub.f32 v59, v18;
	v25 =	vmul.f32 v25, v25  }
0x110: {  	v8 =	vnsel vm10, $0x0, v6;
	v6 =	vadd.f32 v24, v13;
	v24 =	vld.idx.msk [tilespmem:v27+s14+$0x0], $0xffff;
	v58 =	vmul.f32 v16, v16  }
0x111: {  	v22 =	vmul.f32 v22, v22;
	v28 =	vsub.f32 v53, v18;
	v12 =	vsub.f32 v12, v18;
	v27 =	vld.idx.msk [tilespmem:v27+s2+$0x0], $0xffff  }
0x112: {  	v54 =	vsub.f32 v36, v11;
	v23 =	vadd.f32 v25, v58;
	v25 =	vmul.f32 v60, v62  }
0x113: {  	v3 =	vmul.f32 v3, v3;
	v11 =	vsub.f32 v17, v11;
	v19 =	vsub.f32 v14, v10  }
0x114: {  	v15 =	vnsel vm13, $0x0, v15;
	v31 =	vsub.f32 v55, v18;
	v4 =	vsub.f32 $1.500000000e+00, v25  }
0x115: {  	v24 =	vsub.f32 v24, v18;
	v18 =	vmul.f32 v63, v63;
	v25 =	vmul.f32 v26, v26  }
0x116: {  	v14 =	vnsel vm11, $0x0, v30;
	v10 =	vsub.f32 v27, v10;
	v4 =	vmul.f32 v60, v4  }
0x117: {  	v12 =	vmul.f32 v12, v12;
	v11 =	vmul.f32 v11, v11;
	v17 =	vadd.f32 v25, v18  }
0x118: {  	v18 =	vmul.f32 v21, v21;
	v10 =	vmul.f32 v10, v10;
	v4 =	vnsel vm15, $0x0, v4  }
0x119: {  	v13 =	vmul.f32 v54, v54;
	v26 =	vmul.f32 v31, v31;
	v4 =	vadd.f32 v4, v2  }
0x11a: {  	v16 =	vmul.f32 v19, v19;
	v9 =	vadd.f32 v9, v18;
	v10 =	vadd.f32 v11, v10  }
0x11b: {  	v19 =	vmul.f32 v28, v28;
	v2 =	vadd.f32 v26, v17;
	v4 =	vadd.f32 v15, v4  }
0x11c: {  	v11 =	vmul.f32 v24, v24;
	v3 =	vadd.f32 v3, v9;
	v15 =	vnsel vm14, $0x0, v20  }
0x11d: {  	v21 =	vnsel vm12, $0x0, v34;
	v9 =	vadd.f32 $9.999999740e-05, v2;
	v17 =	vadd.f32 v15, v4  }
0x11e: {  	v4 =	vadd.f32 v11, v10;
	v10 =	vadd.f32 $9.999999740e-05, v3;
	v15 =	vmul.f32 v56, v56  }
0x11f: {  	v11 =	vshrl.u32 v9, $0x1;
	v18 =	vmul.f32 $5.000000000e-01, v9;
	v9 =	vadd.f32 v35, v17  }
0x120: {  	v25 =	vadd.f32 $9.999999740e-05, v4;
	v17 =	vshrl.u32 v10, $0x1;
	v26 =	vmul.f32 $5.000000000e-01, v10  }
0x121: {  	s26 =	simm.s32 $0x100;
	s1 =	simm.s32 $0x20;
	v20 =	vsub.s32 $0x5F3759DF, v17;
	v17 =	vsub.s32 $0x5F3759DF, v11;
	v24 =	vadd.f32 v21, v9  }
0x122: {  	s25 =	sadd.s32 $0x10, s25;
	s24 =	sadd.s32 $0x10, s24;
	s23 =	sadd.s32 $0x10, s23;
	v10 =	vshrl.u32 v25, $0x1;
	v9 =	vmul.f32 $5.000000000e-01, v25;
	v21 =	vmul.f32 v20, v26  }
.LBB2_4:
0x123: {  	s0 =	smov.u32 s1  }
0x124: {  	s15 =	sand.u32 $0x7C00, s26;
	s16 =	sand.u32 $0x70, s1;
	v11 =	vld [tilespmem:s24+$0x0];
	v18 =	vmul.f32 v17, v18;
	v25 =	vadd.f32 v22, v15;
	v14 =	vadd.f32 v14, v24;
	s0 =	sadd.s32 $0x10, s1  }
0x125: {  	p0 =	sne.s32 s1, $0xFF0;
	v22 =	vadd.f32 v12, v23;
	v12 =	vadd.f32 v13, v16;
	s15 =	sor.u32 s16, s15;
	v24 =	vmul.f32 v20, v21;
	v15 =	vld [tilespmem:s25+$0x0]  }
0x126: {  	v13 =	vmul.f32 v17, v18;
	v16 =	vadd.f32 v19, v25;
	v8 =	vadd.f32 v8, v14;
	v21 =	vld [tilespmem:s23+$0x0]  }
0x127: {  	v5 =	vmul.f32 v5, v5;
	v23 =	vadd.f32 $9.999999740e-05, v22;
	v19 =	vsub.f32 $1.500000000e+00, v24;
	v14 =	vld [tilespmem:s15+$0x14380]  }
0x128: {  	v13 =	vsub.f32 $1.500000000e+00, v13;
	vm0 =	vlt.f32 v16, $2.499999940e-03;
	v18 =	vadd.f32 v7, v8;
	v26 =	vld [tilespmem:s15+$0x14300]  }
0x129: {  	v8 =	vadd.f32 $9.999999740e-05, v16;
	v16 =	vshrl.u32 v23, $0x1;
	v20 =	vmul.f32 v20, v19;
	v7 =	vld [tilespmem:s15+$0x14200]  }
0x12a: {  	v17 =	vmul.f32 v17, v13;
	v13 =	vsub.s32 $0x5F3759DF, v16;
	v16 =	vmul.f32 $5.000000000e-01, v23;
	v19 =	vld [tilespmem:s15+$0x14280]  }
0x12b: {  	v12 =	vadd.f32 v5, v12;
	v24 =	vshrl.u32 v8, $0x1;
	v8 =	vmul.f32 $5.000000000e-01, v8;
	v23 =	vld [tilespmem:s15+$0x14100]  }
0x12c: {  	v6 =	vadd.f32 v1, v6;
	v5 =	vsub.s32 $0x5F3759DF, v24;
	v16 =	vmul.f32 v13, v16;
	v27 =	vld [tilespmem:s15+$0x14080]  }
0x12d: {  	v25 =	vadd.f32 $9.999999740e-05, v0;
	v1 =	vmul.f32 v5, v8;
	v8 =	vadd.f32 $9.999999740e-05, v12;
	v28 =	vld [tilespmem:s15+$0x14000]  }
0x12e: {  	v24 =	vadd.f32 $9.999999740e-05, v6;
	v16 =	vmul.f32 v13, v16;
	v29 =	vld [tilespmem:s15+$0x14180]  }
0x12f: {  	v1 =	vmul.f32 v5, v1;
	v31 =	vshrl.u32 v8, $0x1;
	v8 =	vmul.f32 $5.000000000e-01, v8;
	v30 =	vld.idx.msk [tilespmem:v14+s14+$0x0], $0xffff  }
0x130: {  	v33 =	vmul.f32 $5.000000000e-01, v24;
	v31 =	vsub.s32 $0x5F3759DF, v31;
	v16 =	vsub.f32 $1.500000000e+00, v16;
	v32 =	vld.idx.msk [tilespmem:v14+s2+$0x0], $0xffff  }
0x131: {  	v34 =	vshrl.u32 v24, $0x1;
	v1 =	vsub.f32 $1.500000000e+00, v1;
	v8 =	vmul.f32 v31, v8;
	v14 =	vld.idx.msk [tilespmem:v14+s13+$0x0], $0xffff  }
0x132: {  	v24 =	vmul.f32 v13, v16;
	v13 =	vsub.s32 $0x5F3759DF, v34;
	v16 =	vmul.f32 $5.000000000e-01, v25;
	v35 =	vld.idx.msk [tilespmem:v26+s14+$0x0], $0xffff  }
0x133: {  	v1 =	vmul.f32 v5, v1;
	v5 =	vmul.f32 v31, v8;
	v8 =	vshrl.u32 v25, $0x1;
	v34 =	vld.idx.msk [tilespmem:v7+s14+$0x0], $0xffff  }
0x134: {  	vm1 =	vlt.f32 v0, $2.499999940e-03;
	v33 =	vmul.f32 v13, v33;
	v0 =	vsub.s32 $0x5F3759DF, v8;
	v36 =	vld.idx.msk [tilespmem:v26+s13+$0x0], $0xffff  }
0x135: {  	v25 =	vnsel vm0, $0x0, v1;
	v1 =	vsub.f32 $1.500000000e+00, v5;
	v5 =	vmul.f32 v0, v16;
	v8 =	vld.idx.msk [tilespmem:v19+s14+$0x0], $0xffff  }
0x136: {  	v30 =	vsub.f32 v30, v21;
	v16 =	vld.idx.msk [tilespmem:v26+s2+$0x0], $0xffff;
	v26 =	vsub.f32 v32, v11;
	v32 =	vmul.f32 v13, v33  }
0x137: {  	v31 =	vmul.f32 v31, v1;
	v1 =	vmul.f32 v0, v5;
	v14 =	vsub.f32 v14, v15;
	v33 =	vld.idx.msk [tilespmem:v19+s13+$0x0], $0xffff  }
0x138: {  	v5 =	vsub.f32 v35, v21;
	v37 =	vld.idx.msk [tilespmem:v7+s2+$0x0], $0xffff;
	v26 =	vmul.f32 v26, v26;
	v32 =	vsub.f32 $1.500000000e+00, v32  }
0x139: {  	v38 =	vsub.f32 $1.500000000e+00, v1;
	v34 =	vsub.f32 v34, v21;
	v14 =	vmul.f32 v14, v14;
	v35 =	vld.idx.msk [tilespmem:v29+s2+$0x0], $0xffff  }
0x13a: {  	v30 =	vmul.f32 v30, v30;
	v36 =	vsub.f32 v36, v15;
	v1 =	vmul.f32 v5, v5;
	v19 =	vld.idx.msk [tilespmem:v19+s2+$0x0], $0xffff  }
0x13b: {  	v5 =	vsub.f32 v8, v21;
	v8 =	vmul.f32 v0, v38;
	v39 =	vld.idx.msk [tilespmem:v7+s13+$0x0], $0xffff;
	v7 =	vadd.f32 v14, v26  }
0x13c: {  	vm0 =	vlt.f32 v6, $2.499999940e-03;
	v6 =	vmul.f32 v13, v32;
	v14 =	vsub.f32 v16, v11;
	v26 =	vld.idx.msk [tilespmem:v29+s14+$0x0], $0xffff  }
0x13d: {  	v13 =	vsub.f32 v33, v15;
	v32 =	vld.idx.msk [tilespmem:v23+s14+$0x0], $0xffff;
	v0 =	vadd.f32 v30, v7;
	v7 =	vnsel vm1, $0x0, v8  }
0x13e: {  	v16 =	vsub.f32 v37, v11;
	v14 =	vmul.f32 v14, v14;
	v30 =	vmul.f32 v36, v36;
	v29 =	vld.idx.msk [tilespmem:v29+s13+$0x0], $0xffff  }
0x13f: {  	vm1 =	vlt.f32 v12, $2.499999940e-03;
	v8 =	vnsel vm0, $0x0, v6;
	v35 =	vsub.f32 v35, v11;
	v33 =	vld.idx.msk [tilespmem:v23+s2+$0x0], $0xffff  }
0x140: {  	v19 =	vsub.f32 v19, v11;
	v6 =	vadd.f32 v30, v14;
	v14 =	vnsel vm1, $0x0, v31;
	v36 =	vld.idx.msk [tilespmem:v28+s14+$0x0], $0xffff  }
0x141: {  	v12 =	vmul.f32 v34, v34;
	v13 =	vmul.f32 v13, v13;
	v30 =	vld.idx.msk [tilespmem:v23+s13+$0x0], $0xffff;
	v23 =	vsub.f32 v39, v15  }
0x142: {  	v34 =	vmul.f32 v16, v16;
	v26 =	vsub.f32 v26, v21;
	v16 =	vmul.f32 v19, v19;
	v31 =	vld.idx.msk [tilespmem:v27+s14+$0x0], $0xffff  }
0x143: {  	v10 =	vsub.s32 $0x5F3759DF, v10;
	v32 =	vsub.f32 v32, v21;
	v37 =	vld.idx.msk [tilespmem:v27+s13+$0x0], $0xffff;
	v23 =	vmul.f32 v23, v23  }
0x144: {  	v9 =	vmul.f32 v10, v9;
	v29 =	vsub.f32 v29, v15;
	v19 =	vmul.f32 v26, v26;
	v27 =	vld.idx.msk [tilespmem:v27+s2+$0x0], $0xffff  }
0x145: {  	vm0 =	vlt.f32 v22, $2.499999940e-03;
	v33 =	vsub.f32 v33, v11;
	v26 =	vld.idx.msk [tilespmem:v28+s13+$0x0], $0xffff;
	v23 =	vadd.f32 v23, v34  }
0x146: {  	v9 =	vmul.f32 v10, v9;
	v34 =	vsub.f32 v36, v21;
	v22 =	vmul.f32 v29, v29;
	v28 =	vld.idx.msk [tilespmem:v28+s2+$0x0], $0xffff  }
0x147: {  	vm2 =	vlt.f32 v2, $2.499999940e-03;
	vm1 =	vlt.f32 v3, $2.499999940e-03;
	v29 =	vsub.f32 v30, v15  }
0x148: {  	vm3 =	vlt.f32 v4, $2.499999940e-03;
	v3 =	vsub.f32 $1.500000000e+00, v9;
	v2 =	vsub.f32 v31, v21  }
0x149: {  	v9 =	vmul.f32 v33, v33;
	v4 =	vsub.f32 v37, v15;
	v21 =	vmul.f32 v29, v29  }
0x14a: {  	v3 =	vmul.f32 v10, v3;
	v29 =	vmul.f32 v32, v32;
	v27 =	vsub.f32 v27, v11  }
0x14b: {  	v10 =	vsub.f32 v26, v15;
	v4 =	vmul.f32 v4, v4;
	v9 =	vadd.f32 v21, v9  }
0x14c: {  	v3 =	vnsel vm3, $0x0, v3;
	v11 =	vsub.f32 v28, v11;
	v15 =	vmul.f32 v27, v27  }
0x14d: {  	v3 =	vadd.f32 v3, v18;
	v18 =	vnsel vm1, $0x0, v20;
	v21 =	vmul.f32 v2, v2  }
0x14e: {  	v10 =	vmul.f32 v10, v10;
	v11 =	vmul.f32 v11, v11;
	v4 =	vadd.f32 v4, v15  }
0x14f: {  	v2 =	vadd.f32 v29, v9;
	v9 =	vadd.f32 v18, v3;
	v15 =	vnsel vm2, $0x0, v17  }
0x150: {  	v10 =	vadd.f32 v10, v11;
	v11 =	vmul.f32 v34, v34;
	v3 =	vadd.f32 v21, v4  }
0x151: {  	v17 =	vadd.f32 $9.999999740e-05, v2;
	v9 =	vadd.f32 v15, v9;
	v21 =	vnsel vm0, $0x0, v24  }
.Ltmp1:
0x152: {  	v15 =	vmul.f32 v35, v35;
	v4 =	vadd.f32 v11, v10;
	v10 =	vadd.f32 $9.999999740e-05, v3;
	(pc) =	sbr.rel @p0 .LBB2_4-.Ltmp1, $4  }
0x153: {  	v18 =	vmul.f32 $5.000000000e-01, v17;
	v9 =	vadd.f32 v25, v9;
	v11 =	vshrl.u32 v17, $0x1  }
0x154: {  	v25 =	vadd.f32 $9.999999740e-05, v4;
	v17 =	vshrl.u32 v10, $0x1;
	v26 =	vmul.f32 $5.000000000e-01, v10  }
0x155: {  	s26 =	sadd.s32 $0x80, s26;
	s25 =	sadd.s32 $0x10, s25;
	v24 =	vadd.f32 v21, v9;
	v20 =	vsub.s32 $0x5F3759DF, v17;
	v17 =	vsub.s32 $0x5F3759DF, v11  }
0x156: {  	s24 =	sadd.s32 $0x10, s24;
	s1 =	smov.u32 s0;
	s23 =	sadd.s32 $0x10, s23;
	v10 =	vshrl.u32 v25, $0x1;
	v9 =	vmul.f32 $5.000000000e-01, v25;
	v21 =	vmul.f32 v20, v26  }
0x157: {  	v15 =	vadd.f32 v22, v15  }
0x158: {  	v11 =	vmul.f32 v17, v18;
	v14 =	vadd.f32 v14, v24;
	v12 =	vadd.f32 v12, v23  }
0x159: {  	v13 =	vadd.f32 v13, v16;
	v5 =	vmul.f32 v5, v5;
	v10 =	vsub.s32 $0x5F3759DF, v10  }
0x15a: {  	v1 =	vadd.f32 v1, v6;
	v40 =	vadd.f32 $9.999999740e-05, v0;
	vm1 =	vlt.f32 v4, $2.499999940e-03  }
0x15b: {  	vm10 =	vlt.f32 v3, $2.499999940e-03;
	vm11 =	vlt.f32 v2, $2.499999940e-03;
	v30 =	vmul.f32 v20, v21  }
0x15c: {  	v9 =	vmul.f32 v10, v9;
	v15 =	vadd.f32 v19, v15;
	v8 =	vadd.f32 v8, v14  }
0x15d: {  	v11 =	vmul.f32 v17, v11;
	v32 =	vadd.f32 $9.999999740e-05, v12;
	v5 =	vadd.f32 v5, v13  }
0x15e: {  	v41 =	vadd.f32 $9.999999740e-05, v1;
	v48 =	vmul.f32 $5.000000000e-01, v40;
	v51 =	vshrl.u32 v40, $0x1  }
0x15f: {  	v31 =	vsub.f32 $1.500000000e+00, v30;
	v9 =	vmul.f32 v10, v9;
	v3 =	vsub.s32 $0x5F3759DF, v51  }
0x160: {  	v11 =	vsub.f32 $1.500000000e+00, v11;
	vm0 =	vlt.f32 v15, $2.499999940e-03;
	v7 =	vadd.f32 v7, v8  }
0x161: {  	v34 =	vadd.f32 $9.999999740e-05, v15;
	v35 =	vshrl.u32 v32, $0x1;
	v16 =	vmul.f32 $5.000000000e-01, v32  }
0x162: {  	v39 =	vadd.f32 $9.999999740e-05, v5;
	v43 =	vmul.f32 $5.000000000e-01, v41;
	v45 =	vshrl.u32 v41, $0x1  }
0x163: {  	v9 =	vsub.f32 $1.500000000e+00, v9;
	v36 =	vshrl.u32 v34, $0x1;
	v14 =	vmul.f32 $5.000000000e-01, v34  }
0x164: {  	v33 =	vmul.f32 v20, v31;
	v15 =	vsub.s32 $0x5F3759DF, v35;
	v37 =	vsub.s32 $0x5F3759DF, v36  }
0x165: {  	v4 =	vsub.s32 $0x5F3759DF, v45;
	v9 =	vmul.f32 v10, v9;
	v38 =	vmul.f32 v37, v14  }
0x166: {  	v11 =	vmul.f32 v17, v11;
	v16 =	vmul.f32 v15, v16;
	v42 =	vshrl.u32 v39, $0x1  }
0x167: {  	v14 =	vmul.f32 $5.000000000e-01, v39;
	v9 =	vnsel vm1, $0x0, v9;
	v6 =	vmul.f32 v37, v38  }
0x168: {  	v19 =	vsub.s32 $0x5F3759DF, v42;
	v16 =	vmul.f32 v15, v16;
	v47 =	vadd.f32 v9, v7  }
0x169: {  	v8 =	vnsel vm10, $0x0, v33;
	v44 =	vmul.f32 v19, v14;
	v6 =	vsub.f32 $1.500000000e+00, v6  }
0x16a: {  	v52 =	vmul.f32 v4, v43;
	v16 =	vsub.f32 $1.500000000e+00, v16;
	v50 =	vadd.f32 v8, v47  }
0x16b: {  	v53 =	vnsel vm11, $0x0, v11;
	v49 =	vmul.f32 v19, v44;
	v6 =	vmul.f32 v37, v6  }
0x16c: {  	v7 =	vmul.f32 v3, v48;
	v46 =	vmul.f32 v15, v16;
	v2 =	vadd.f32 v53, v50  }
0x16d: {  	v8 =	vmul.f32 v4, v52;
	v9 =	vsub.f32 $1.500000000e+00, v49;
	v6 =	vnsel vm0, $0x0, v6  }
0x16e: {  	vm12 =	vlt.f32 v12, $2.499999940e-03;
	v54 =	vmul.f32 v3, v7;
	v2 =	vadd.f32 v6, v2  }
0x16f: {  	v55 =	vsub.f32 $1.500000000e+00, v8;
	v56 =	vnsel vm12, $0x0, v46;
	v9 =	vmul.f32 v19, v9  }
0x170: {  	vm13 =	vlt.f32 v5, $2.499999940e-03;
	v2 =	vadd.f32 v56, v2  }
0x171: {  	v57 =	vsub.f32 $1.500000000e+00, v54;
	v4 =	vmul.f32 v4, v55;
	v58 =	vnsel vm13, $0x0, v9  }
0x172: {  	vm14 =	vlt.f32 v1, $2.499999940e-03;
	v59 =	vadd.f32 v58, v2  }
0x173: {  	v60 =	vmul.f32 v3, v57;
	v61 =	vnsel vm14, $0x0, v4  }
0x174: {  	vm15 =	vlt.f32 v0, $2.499999940e-03;
	v62 =	vadd.f32 v61, v59  }
0x175: {  	v63 =	vnsel vm15, $0x0, v60  }
0x176: {  	s22 =	sadd.s32 $0x1, s22;
	v0 =	vadd.f32 v63, v62  }
0x177: {  	p0 =	sne.s32 s22, s9  }
.Ltmp2:
0x178: {  	s0 =	simm.s32 $0x1C000;
	[tilespmem:$0x1C000] =	vst v0;
	(pc) =	sbr.rel @p0 .LBB2_1-.Ltmp2, $4  }
0x179: {  	[hbm4b:s8+s2] =	stream.linear.scatter [tilespmem:s0], [sflag:$0x4], $0x10, $0x38;
	[tilespmem:$0x1C080] =	vst v63  }
0x17a: {  	_ =	swait.ge [sflag:s21], $0x10  }
0x17b: {  	[sflag:s21] =	ssyncset.done $0x0  }
0x17c: {  	[sflag:s21] =	ssyncadd.s32 $0xFFFFFFF0  }
0x17d: {  	_ =	sfence.sel $0x180000  }
0x17e: {  	[bflag:$0x0] =	sbarrier.arrive $0xFFFF  }
0x17f: {  	_ =	strace $0x90000047  }
0x180: {  	s0 =	stileid.u32;
	[bflag:$0x2] =	sbarrier.arrive $0xFFFF  }
0x181: {  	p0 =	sne.s32 s0, $0x0;
	s0 =	rddreg [dreg:$0x2]  }
0x182: {  	s0 =	sadd.s32 @!p0 $0x100000, s0  }
0x183: {  	[sflag:s0] =	ssyncadd.tile.s32 @!p0 $0x1;
	_ =	shalt  }
.Lfunc_end2:
_tile_overlayer_lowered:
.L_overlay_start_2:
0x184: {  	(tag) =	ssettag $0x2  }
0x185: {  	s0 =	rddreg [dreg:$0x0];
	s2 =	stileid.u32  }
0x186: {  	s1 =	rddreg [dreg:$0x1];
	p0 =	sne.s32 s2, $0x0  }
0x187: {  	s3 =	rddreg [dreg:$0x2];
	[bflag:$0x3] =	sbarrier.arrive $0xFFFF;
	s2 =	simm.s32 @!p0 $0x1C04  }
0x188: {  	[timem:s3], [sflag:s2] =	dma.local @!p0 [hbm:s0], s1  }
0x189: {  	s0 =	simm.s32 @!p0 $0x4  }
0x18a: {  	_ =	swait.ge @!p0 [sflag:s0], s1  }
0x18b: {  	s1 =	ssub.s32 @!p0 $0x0, s1;
	[sflag:s0] =	ssyncset.done @!p0 $0x0  }
0x18c: {  	[sflag:s0] =	ssyncadd.s32 @!p0 s1  }
0x18d: {  	[bflag:$0x3] =	sbarrier.arrive $0xFFFF  }
0x18e: {  	_ =	shalt  }

</sc_bundles>
